<compile_context>
chip_gen: v7x
topology: tpu7x:2x2x1
jax: 0.10.2.dev20260603
libtpu: 0.0.44.dev20260713+nightly
codegen_flags: <defaults>
</compile_context>

<pallas_src>
import functools

import jax
import jax.numpy as jnp
from jax import lax
from jax.experimental import pallas as pl
from jax.experimental.pallas import tpu as pltpu
from jax.experimental.pallas import tpu_sc as plsc

N_NODES = 10000
D = 256
QTR = 64
NQ = 4
NC = 2
NS = 16
CHUNK = 128
N_CHUNKS = 80
E_PER_SUB = CHUNK * N_CHUNKS
E_PAD = E_PER_SUB * NS
ACC_ROWS = 10240
ZROWS = ACC_ROWS // NS


def _fill_zero(buf, nrows):
    lanes = QTR // 16

    def body(i, carry):
        r = i // lanes
        k = i % lanes
        buf[r, pl.ds(k * 16, 16)] = jnp.zeros((16,), jnp.float32)
        return carry
    lax.fori_loop(0, nrows * lanes, body, 0)


NBUF = 2


def _agg_body(x4_hbm, src4_hbm, dst_hbm, out_hbm, sidx, didx,
              rows0, rows1, zbuf, acc, sem0, sem1):
    c = lax.axis_index("c")
    s = lax.axis_index("s")
    rowbufs = (rows0, rows1)
    sems = (sem0, sem1)

    _fill_zero(zbuf, CHUNK)

    pltpu.sync_copy(dst_hbm.at[s], didx)

    for p in range(2):
        def zacc(j, carry):
            pltpu.sync_copy(zbuf, acc.at[pl.ds(s * ZROWS + j * CHUNK, CHUNK)])
            return carry
        lax.fori_loop(0, ZROWS // CHUNK, zacc, 0)

        pltpu.sync_copy(src4_hbm.at[2 * c + p, s], sidx)

        plsc.subcore_barrier()

        for b in range(NBUF):
            pltpu.async_copy(x4_hbm.at[sidx.at[b]], rowbufs[b], sems[b])

        def chunk_group(i, carry):
            j0 = i * NBUF
            for b in range(NBUF):
                j = j0 + b
                pltpu.make_async_copy(
                    x4_hbm.at[sidx.at[j]], rowbufs[b], sems[b]).wait()
                pltpu.sync_copy(rowbufs[b], acc.at[didx.at[j]], add=True)

                @pl.when(j + NBUF < N_CHUNKS)
                def _():
                    pltpu.async_copy(
                        x4_hbm.at[sidx.at[j + NBUF]], rowbufs[b], sems[b])
            return carry
        lax.fori_loop(0, N_CHUNKS // NBUF, chunk_group, 0)

        plsc.subcore_barrier()

        pltpu.sync_copy(acc.at[pl.ds(s * ZROWS, ZROWS)],
                        out_hbm.at[2 * c + p, pl.ds(s * ZROWS, ZROWS)])

        plsc.subcore_barrier()


def _sc_aggregate(x4, src4, dst_r):
    mesh = plsc.VectorSubcoreMesh(core_axis_name="c", subcore_axis_name="s",
                                  num_cores=NC, num_subcores=NS)
    k = functools.partial(
        pl.kernel,
        out_type=jax.ShapeDtypeStruct((NQ, ACC_ROWS, QTR), jnp.float32),
        mesh=mesh,
        scratch_types=[
            pltpu.VMEM((N_CHUNKS, CHUNK), jnp.int32),
            pltpu.VMEM((N_CHUNKS, CHUNK), jnp.int32),
            pltpu.VMEM((CHUNK, QTR), jnp.float32),
            pltpu.VMEM((CHUNK, QTR), jnp.float32),
            pltpu.VMEM((CHUNK, QTR), jnp.float32),
            pltpu.VMEM_SHARED((ACC_ROWS, QTR), jnp.float32),
            pltpu.SemaphoreType.DMA,
            pltpu.SemaphoreType.DMA,
        ],
        compiler_params=pltpu.CompilerParams(use_tc_tiling_on_sc=False),
    )(_agg_body)
    return k(x4, src4, dst_r)


def _mlp_body(x_ref, a0_ref, a1_ref, a2_ref, a3_ref,
              w1_ref, b1_ref, w2_ref, b2_ref, o_ref):
    agg = jnp.concatenate([a0_ref[0], a1_ref[0], a2_ref[0], a3_ref[0]], axis=-1)
    h = x_ref[...] + agg
    h1 = jnp.dot(h, w1_ref[...], preferred_element_type=jnp.float32) + b1_ref[...]
    h1 = jnp.maximum(h1, 0.0)
    o_ref[...] = jnp.dot(h1, w2_ref[...], preferred_element_type=jnp.float32) + b2_ref[...]


def _mlp(x, agg, W1, b1, W2, b2):
    R = 1000
    grid = (N_NODES // R,)
    return pl.pallas_call(
        _mlp_body,
        grid=grid,
        in_specs=[
            pl.BlockSpec((R, D), lambda i: (i, 0)),
            pl.BlockSpec((1, R, QTR), lambda i: (0, i, 0)),
            pl.BlockSpec((1, R, QTR), lambda i: (1, i, 0)),
            pl.BlockSpec((1, R, QTR), lambda i: (2, i, 0)),
            pl.BlockSpec((1, R, QTR), lambda i: (3, i, 0)),
            pl.BlockSpec((D, 512), lambda i: (0, 0)),
            pl.BlockSpec((1, 512), lambda i: (0, 0)),
            pl.BlockSpec((512, D), lambda i: (0, 0)),
            pl.BlockSpec((1, D), lambda i: (0, 0)),
        ],
        out_specs=pl.BlockSpec((R, D), lambda i: (i, 0)),
        out_shape=jax.ShapeDtypeStruct((N_NODES, D), jnp.float32),
    )(x, agg, agg, agg, agg, W1, b1.reshape(1, 512), W2, b2.reshape(1, D))


def kernel(x, edge_index, W1, b1, W2, b2):
    src = edge_index[0]
    dst = edge_index[1]
    pad = E_PAD - src.shape[0]
    src_p = jnp.concatenate([src, jnp.zeros((pad,), jnp.int32)])
    dst_p = jnp.concatenate([dst, jnp.full((pad,), N_NODES, jnp.int32)])
    x4 = x.reshape(NQ * N_NODES, QTR)
    src4 = jnp.stack([src_p * 4 + q for q in range(NQ)]).reshape(
        NQ, NS, N_CHUNKS, CHUNK)
    dst_r = dst_p.reshape(NS, N_CHUNKS, CHUNK)

    agg = _sc_aggregate(x4, src4, dst_r)
    return _mlp(x, agg, W1, b1, W2, b2)

# --- scband reference (transcript-rebuilt; emitter-appended) ---
"""Pipeline reference for scband-gin-86260123173599 (READ-ONLY COPY).

The authoritative reference and input builder live on the scoring server;
editing this copy changes nothing except your own understanding.
"""

import jax, jax.numpy as jnp
import numpy as np

N_NODES = 10000
N_EDGES = 160000
D_IN = 256
D_HID = 512
D_OUT = 256
EPS = 0.0


def setup_inputs(seed: int = 0) -> dict:
    key = jax.random.key(seed)
    k1, k2, k3, k4 = jax.random.split(key, 4)
    x = jax.random.normal(k1, (N_NODES, D_IN), dtype=jnp.float32)
    edge_index = jax.random.randint(k2, (2, N_EDGES), 0, N_NODES, dtype=jnp.int32)
    W1 = jax.random.normal(k3, (D_IN, D_HID), dtype=jnp.float32) * (1.0 / np.sqrt(D_IN))
    b1 = jnp.zeros((D_HID,), dtype=jnp.float32)
    W2 = jax.random.normal(k4, (D_HID, D_OUT), dtype=jnp.float32) * (1.0 / np.sqrt(D_HID))
    b2 = jnp.zeros((D_OUT,), dtype=jnp.float32)
    return {"x": x, "edge_index": edge_index, "W1": W1, "b1": b1, "W2": W2, "b2": b2}


def reference(x, edge_index, W1, b1, W2, b2):
    # GIN layer: h_i = MLP((1 + eps) * x_i + sum_{j in N(i)} x_j)
    src = edge_index[0]
    dst = edge_index[1]
    msgs = jnp.take(x, src, axis=0)                 # gather source node features [E, D]
    agg = jax.ops.segment_sum(msgs, dst, num_segments=N_NODES)  # scatter-add to dst nodes
    h = (1.0 + EPS) * x + agg
    # 2-layer GIN MLP: Linear -> ReLU -> Linear
    h = jnp.maximum(h @ W1 + b1, 0.0)
    out = h @ W2 + b2
    return out

if __name__ == "__main__":
    import jax
    _d = setup_inputs()
    print(jax.jit(kernel)(*tuple(_d.values())))

</pallas_src>

<mosaic_0001>
#map = affine_map<(d0, d1) -> (0, 0)>
#map1 = affine_map<(d0, d1) -> (0, 0, 0, 0)>
#map2 = affine_map<(d0, d1) -> (0, 0, 0)>
module attributes {stable_mosaic.version = 14 : i64} {
  func.func @_agg_body(%arg0: i32, %arg1: i32, %arg2: memref<40000x64xf32, #tpu.memory_space<hbm>>, %arg3: memref<4x16x80x128xi32, #tpu.memory_space<hbm>>, %arg4: memref<16x80x128xi32, #tpu.memory_space<hbm>>, %arg5: memref<4x10240x64xf32, #tpu.memory_space<hbm>>, %arg6: memref<80x128xi32, #tpu.memory_space<vmem>>, %arg7: memref<80x128xi32, #tpu.memory_space<vmem>>, %arg8: memref<128x64xf32, #tpu.memory_space<vmem>>, %arg9: memref<128x64xf32, #tpu.memory_space<vmem>>, %arg10: memref<128x64xf32, #tpu.memory_space<vmem>>, %arg11: memref<10240x64xf32, #tpu.memory_space<vmem_shared>>, %arg12: memref<!tpu.dma_semaphore, #tpu.memory_space<semaphore_mem>>, %arg13: memref<!tpu.dma_semaphore, #tpu.memory_space<semaphore_mem>>) attributes {dimension_semantics = [#tpu.dimension_semantics<core_parallel>, #tpu.dimension_semantics<subcore_parallel>], iteration_bounds = array<i64: 2, 16>, scalar_prefetch = 0 : i64, scratch_operands = 8 : i64, tpu.core_type = #tpu.core_type<sc_vector_subcore>, window_params = [{transform_indices = #map}, {transform_indices = #map1}, {transform_indices = #map2}, {transform_indices = #map2}]} {
    %scan3A = arith.constant 0 : i32
    %scan3A_0 = arith.constant 0 : i32
    %scan3A_1 = arith.constant 512 : i32
    %scan3A_2 = arith.addi %scan3A_0, %scan3A_1 : i32
    %scan3A_3 = arith.constant 1 : i32
    scf.for %scan3A_83 = %scan3A_0 to %scan3A_2 step %scan3A_3  : i32 {
      %jit3A = arith.constant 4 : i32
      %div3A = arith.divsi %scan3A_83, %jit3A : i32
      %sign3A = arith.constant 0 : i32
      %sign3A_84 = arith.cmpi sgt, %scan3A_83, %sign3A : i32
      %sign3A_85 = arith.extui %sign3A_84 : i1 to i32
      %sign3A_86 = arith.constant 0 : i32
      %sign3A_87 = arith.cmpi slt, %scan3A_83, %sign3A_86 : i32
      %sign3A_88 = arith.extui %sign3A_87 : i1 to i32
      %sign3A_89 = arith.subi %sign3A_85, %sign3A_88 : i32
      %sign3A_90 = arith.constant 0 : i32
      %sign3A_91 = arith.cmpi sgt, %jit3A, %sign3A_90 : i32
      %sign3A_92 = arith.extui %sign3A_91 : i1 to i32
      %sign3A_93 = arith.constant 0 : i32
      %sign3A_94 = arith.cmpi slt, %jit3A, %sign3A_93 : i32
      %sign3A_95 = arith.extui %sign3A_94 : i1 to i32
      %sign3A_96 = arith.subi %sign3A_92, %sign3A_95 : i32
      %ne3A = arith.cmpi ne, %sign3A_89, %sign3A_96 : i32
      %rem3A = arith.remsi %scan3A_83, %jit3A : i32
      %ne3A_97 = arith.constant 0 : i32
      %ne3A_98 = arith.cmpi ne, %rem3A, %ne3A_97 : i32
      %and3A = arith.andi %ne3A, %ne3A_98 : i1
      %sub3A = arith.constant 1 : i32
      %sub3A_99 = arith.subi %div3A, %sub3A : i32
      %select_n3A = arith.select %and3A, %sub3A_99, %div3A : i32
      %jit3A_100 = arith.constant 4 : i32
      %eq3A = arith.constant 0 : i32
      %eq3A_101 = arith.cmpi eq, %jit3A_100, %eq3A : i32
      %jit3A_102 = arith.constant 1 : i32
      %select_n3A_103 = arith.select %eq3A_101, %jit3A_102, %jit3A_100 : i32
      %rem3A_104 = arith.remsi %scan3A_83, %select_n3A_103 : i32
      %ne3A_105 = arith.constant 0 : i32
      %ne3A_106 = arith.cmpi ne, %rem3A_104, %ne3A_105 : i32
      %lt3A = arith.constant 0 : i32
      %lt3A_107 = arith.cmpi slt, %rem3A_104, %lt3A : i32
      %lt3A_108 = arith.constant 0 : i32
      %lt3A_109 = arith.cmpi slt, %select_n3A_103, %lt3A_108 : i32
      %ne3A_110 = arith.xori %lt3A_107, %lt3A_109 : i1
      %and3A_111 = arith.andi %ne3A_110, %ne3A_106 : i1
      %add3A_112 = arith.addi %rem3A_104, %select_n3A_103 : i32
      %select_n3A_113 = arith.select %and3A_111, %add3A_112, %rem3A_104 : i32
      %broadcast_in_dim3A = arith.constant 0.000000e+00 : f32
      %broadcast_in_dim3A_114 = vector.broadcast %broadcast_in_dim3A : f32 to vector<16xf32>
      %mul3A_115 = arith.constant 16 : i32
      %mul3A_116 = arith.muli %select_n3A_113, %mul3A_115 : i32
      %swap3A = arith.index_cast %select_n3A : i32 to index
      %swap3A_117 = arith.index_cast %mul3A_116 : i32 to index
      %swap3A_118 = tpu.vector_load %arg10[%swap3A, %swap3A_117] {strides = array<i32>} : memref<128x64xf32, #tpu.memory_space<vmem>>, vector<1x16xf32>,
      %swap3A_119 = vector.shape_cast %swap3A_118 : vector<1x16xf32> to vector<16xf32>
      %swap3A_120 = vector.shape_cast %broadcast_in_dim3A_114 : vector<16xf32> to vector<1x16xf32>
      tpu.vector_store %arg10[%swap3A, %swap3A_117], %swap3A_120 {strides = array<i32>} : memref<128x64xf32, #tpu.memory_space<vmem>>, vector<1x16xf32>,
    }
    %scan3A_4 = arith.constant 512 : i32
    "tpu.region"() ({
      %run_scoped3A = tpu.sem_alloc : memref<!tpu.dma_semaphore, #tpu.memory_space<semaphore_mem>>
      %dma_start3A_83 = arith.constant 0 : i32
      %dma_start3A_84 = arith.constant 0 : i32
      %dma_start3A_85 = tpu.memref_slice %arg4[%arg1, %dma_start3A_83, %dma_start3A_84] : memref<16x80x128xi32, #tpu.memory_space<hbm>> -> memref<1x80x128xi32, #tpu.memory_space<hbm>>
      %dma_start3A_86 = tpu.memref_squeeze %dma_start3A_85 : memref<1x80x128xi32, #tpu.memory_space<hbm>> -> memref<80x128xi32, #tpu.memory_space<hbm>>
      %dma_start3A_87 = arith.constant 0 : i32
      %dma_start3A_88 = arith.constant 0 : i32
      %dma_start3A_89 = tpu.memref_slice %arg4[%arg1, %dma_start3A_87, %dma_start3A_88] : memref<16x80x128xi32, #tpu.memory_space<hbm>> -> memref<1x80x128xi32, #tpu.memory_space<hbm>>
      %dma_start3A_90 = tpu.memref_squeeze %dma_start3A_89 : memref<1x80x128xi32, #tpu.memory_space<hbm>> -> memref<80x128xi32, #tpu.memory_space<hbm>>
      tpu.enqueue_dma source(%dma_start3A_90 : memref<80x128xi32, #tpu.memory_space<hbm>>) target(%arg7 : memref<80x128xi32, #tpu.memory_space<vmem>>) target_semaphore(%run_scoped3A : memref<!tpu.dma_semaphore, #tpu.memory_space<semaphore_mem>>)
      %dma_wait3A = arith.constant 0 : i32
      %dma_wait3A_91 = arith.constant 0 : i32
      %dma_wait3A_92 = tpu.memref_slice %arg4[%arg1, %dma_wait3A, %dma_wait3A_91] : memref<16x80x128xi32, #tpu.memory_space<hbm>> -> memref<1x80x128xi32, #tpu.memory_space<hbm>>
      %dma_wait3A_93 = tpu.memref_squeeze %dma_wait3A_92 : memref<1x80x128xi32, #tpu.memory_space<hbm>> -> memref<80x128xi32, #tpu.memory_space<hbm>>
      %dma_wait3A_94 = arith.constant 0 : i32
      %dma_wait3A_95 = arith.constant 0 : i32
      %dma_wait3A_96 = tpu.memref_slice %arg4[%arg1, %dma_wait3A_94, %dma_wait3A_95] : memref<16x80x128xi32, #tpu.memory_space<hbm>> -> memref<1x80x128xi32, #tpu.memory_space<hbm>>
      %dma_wait3A_97 = tpu.memref_squeeze %dma_wait3A_96 : memref<1x80x128xi32, #tpu.memory_space<hbm>> -> memref<80x128xi32, #tpu.memory_space<hbm>>
      tpu.wait_dma2 semaphore(%run_scoped3A : memref<!tpu.dma_semaphore, #tpu.memory_space<semaphore_mem>>) src(%dma_wait3A_97 : memref<80x128xi32, #tpu.memory_space<hbm>>) dst(%arg7 : memref<80x128xi32, #tpu.memory_space<vmem>>)
      tpu.yield
    }) : () -> ()
    %scan3A_5 = arith.constant 0 : i32
    %scan3A_6 = arith.constant 0 : i32
    %scan3A_7 = arith.constant 5 : i32
    %scan3A_8 = arith.addi %scan3A_6, %scan3A_7 : i32
    %scan3A_9 = arith.constant 1 : i32
    scf.for %scan3A_83 = %scan3A_6 to %scan3A_8 step %scan3A_9  : i32 {
      %mul3A_84 = arith.constant 640 : i32
      %mul3A_85 = arith.muli %arg1, %mul3A_84 : i32
      %mul3A_86 = arith.constant 128 : i32
      %mul3A_87 = arith.muli %scan3A_83, %mul3A_86 : i32
      %add3A_88 = arith.addi %mul3A_85, %mul3A_87 : i32
      "tpu.region"() ({
        %run_scoped3A = tpu.sem_alloc : memref<!tpu.dma_semaphore, #tpu.memory_space<semaphore_mem>>
        %dma_start3A_89 = arith.constant 0 : i32
        %dma_start3A_90 = tpu.memref_slice %arg11[%add3A_88, %dma_start3A_89] : memref<10240x64xf32, #tpu.memory_space<vmem_shared>> -> memref<128x64xf32, #tpu.memory_space<vmem_shared>>
        %dma_start3A_91 = arith.constant 0 : i32
        %dma_start3A_92 = tpu.memref_slice %arg11[%add3A_88, %dma_start3A_91] : memref<10240x64xf32, #tpu.memory_space<vmem_shared>> -> memref<128x64xf32, #tpu.memory_space<vmem_shared>>
        tpu.enqueue_dma source(%arg10 : memref<128x64xf32, #tpu.memory_space<vmem>>) target(%dma_start3A_92 : memref<128x64xf32, #tpu.memory_space<vmem_shared>>) target_semaphore(%run_scoped3A : memref<!tpu.dma_semaphore, #tpu.memory_space<semaphore_mem>>)
        %dma_wait3A = arith.constant 0 : i32
        %dma_wait3A_93 = tpu.memref_slice %arg11[%add3A_88, %dma_wait3A] : memref<10240x64xf32, #tpu.memory_space<vmem_shared>> -> memref<128x64xf32, #tpu.memory_space<vmem_shared>>
        %dma_wait3A_94 = arith.constant 0 : i32
        %dma_wait3A_95 = tpu.memref_slice %arg11[%add3A_88, %dma_wait3A_94] : memref<10240x64xf32, #tpu.memory_space<vmem_shared>> -> memref<128x64xf32, #tpu.memory_space<vmem_shared>>
        tpu.wait_dma2 semaphore(%run_scoped3A : memref<!tpu.dma_semaphore, #tpu.memory_space<semaphore_mem>>) src(%arg10 : memref<128x64xf32, #tpu.memory_space<vmem>>) dst(%dma_wait3A_95 : memref<128x64xf32, #tpu.memory_space<vmem_shared>>)
        tpu.yield
      }) : () -> ()
    }
    %scan3A_10 = arith.constant 5 : i32
    %mul3A = arith.constant 2 : i32
    %mul3A_11 = arith.muli %mul3A, %arg0 : i32
    %add3A = arith.constant 0 : i32
    %add3A_12 = arith.addi %mul3A_11, %add3A : i32
    "tpu.region"() ({
      %run_scoped3A = tpu.sem_alloc : memref<!tpu.dma_semaphore, #tpu.memory_space<semaphore_mem>>
      %dma_start3A_83 = arith.constant 0 : i32
      %dma_start3A_84 = arith.constant 0 : i32
      %dma_start3A_85 = tpu.memref_slice %arg3[%add3A_12, %arg1, %dma_start3A_83, %dma_start3A_84] : memref<4x16x80x128xi32, #tpu.memory_space<hbm>> -> memref<1x1x80x128xi32, #tpu.memory_space<hbm>>
      %dma_start3A_86 = tpu.memref_squeeze %dma_start3A_85 : memref<1x1x80x128xi32, #tpu.memory_space<hbm>> -> memref<80x128xi32, #tpu.memory_space<hbm>>
      %dma_start3A_87 = arith.constant 0 : i32
      %dma_start3A_88 = arith.constant 0 : i32
      %dma_start3A_89 = tpu.memref_slice %arg3[%add3A_12, %arg1, %dma_start3A_87, %dma_start3A_88] : memref<4x16x80x128xi32, #tpu.memory_space<hbm>> -> memref<1x1x80x128xi32, #tpu.memory_space<hbm>>
      %dma_start3A_90 = tpu.memref_squeeze %dma_start3A_89 : memref<1x1x80x128xi32, #tpu.memory_space<hbm>> -> memref<80x128xi32, #tpu.memory_space<hbm>>
      tpu.enqueue_dma source(%dma_start3A_90 : memref<80x128xi32, #tpu.memory_space<hbm>>) target(%arg6 : memref<80x128xi32, #tpu.memory_space<vmem>>) target_semaphore(%run_scoped3A : memref<!tpu.dma_semaphore, #tpu.memory_space<semaphore_mem>>)
      %dma_wait3A = arith.constant 0 : i32
      %dma_wait3A_91 = arith.constant 0 : i32
      %dma_wait3A_92 = tpu.memref_slice %arg3[%add3A_12, %arg1, %dma_wait3A, %dma_wait3A_91] : memref<4x16x80x128xi32, #tpu.memory_space<hbm>> -> memref<1x1x80x128xi32, #tpu.memory_space<hbm>>
      %dma_wait3A_93 = tpu.memref_squeeze %dma_wait3A_92 : memref<1x1x80x128xi32, #tpu.memory_space<hbm>> -> memref<80x128xi32, #tpu.memory_space<hbm>>
      %dma_wait3A_94 = arith.constant 0 : i32
      %dma_wait3A_95 = arith.constant 0 : i32
      %dma_wait3A_96 = tpu.memref_slice %arg3[%add3A_12, %arg1, %dma_wait3A_94, %dma_wait3A_95] : memref<4x16x80x128xi32, #tpu.memory_space<hbm>> -> memref<1x1x80x128xi32, #tpu.memory_space<hbm>>
      %dma_wait3A_97 = tpu.memref_squeeze %dma_wait3A_96 : memref<1x1x80x128xi32, #tpu.memory_space<hbm>> -> memref<80x128xi32, #tpu.memory_space<hbm>>
      tpu.wait_dma2 semaphore(%run_scoped3A : memref<!tpu.dma_semaphore, #tpu.memory_space<semaphore_mem>>) src(%dma_wait3A_97 : memref<80x128xi32, #tpu.memory_space<hbm>>) dst(%arg6 : memref<80x128xi32, #tpu.memory_space<vmem>>)
      tpu.yield
    }) : () -> ()
    %barrier3A = arith.constant 0 : index
    tpu.barrier barrier_id(%barrier3A)
    %dma_start3A = arith.constant 0 : i32
    %dma_start3A_13 = arith.constant 0 : i32
    %dma_start3A_14 = tpu.memref_slice %arg6[%dma_start3A, %dma_start3A_13] : memref<80x128xi32, #tpu.memory_space<vmem>> -> memref<1x128xi32, #tpu.memory_space<vmem>>
    %dma_start3A_15 = tpu.memref_squeeze %dma_start3A_14 : memref<1x128xi32, #tpu.memory_space<vmem>> -> memref<128xi32, #tpu.memory_space<vmem>>
    %dma_start3A_16 = arith.constant 0 : i32
    %dma_start3A_17 = arith.constant 0 : i32
    %dma_start3A_18 = tpu.memref_slice %arg2[%dma_start3A_16, %dma_start3A_17] : memref<40000x64xf32, #tpu.memory_space<hbm>> -> memref<40000x64xf32, #tpu.memory_space<hbm>>
    tpu.enqueue_indirect_dma source(%dma_start3A_18 : memref<40000x64xf32, #tpu.memory_space<hbm>>) target(%arg8 : memref<128x64xf32, #tpu.memory_space<vmem>>) offsets(%dma_start3A_15 : memref<128xi32, #tpu.memory_space<vmem>>) semaphore(%arg12 : memref<!tpu.dma_semaphore, #tpu.memory_space<semaphore_mem>>)
    %dma_start3A_19 = arith.constant 1 : i32
    %dma_start3A_20 = arith.constant 0 : i32
    %dma_start3A_21 = tpu.memref_slice %arg6[%dma_start3A_19, %dma_start3A_20] : memref<80x128xi32, #tpu.memory_space<vmem>> -> memref<1x128xi32, #tpu.memory_space<vmem>>
    %dma_start3A_22 = tpu.memref_squeeze %dma_start3A_21 : memref<1x128xi32, #tpu.memory_space<vmem>> -> memref<128xi32, #tpu.memory_space<vmem>>
    %dma_start3A_23 = arith.constant 0 : i32
    %dma_start3A_24 = arith.constant 0 : i32
    %dma_start3A_25 = tpu.memref_slice %arg2[%dma_start3A_23, %dma_start3A_24] : memref<40000x64xf32, #tpu.memory_space<hbm>> -> memref<40000x64xf32, #tpu.memory_space<hbm>>
    tpu.enqueue_indirect_dma source(%dma_start3A_25 : memref<40000x64xf32, #tpu.memory_space<hbm>>) target(%arg9 : memref<128x64xf32, #tpu.memory_space<vmem>>) offsets(%dma_start3A_22 : memref<128xi32, #tpu.memory_space<vmem>>) semaphore(%arg13 : memref<!tpu.dma_semaphore, #tpu.memory_space<semaphore_mem>>)
    %scan3A_26 = arith.constant 0 : i32
    %scan3A_27 = arith.constant 0 : i32
    %scan3A_28 = arith.constant 40 : i32
    %scan3A_29 = arith.addi %scan3A_27, %scan3A_28 : i32
    %scan3A_30 = arith.constant 1 : i32
    scf.for %scan3A_83 = %scan3A_27 to %scan3A_29 step %scan3A_30  : i32 {
      %mul3A_84 = arith.constant 2 : i32
      %mul3A_85 = arith.muli %scan3A_83, %mul3A_84 : i32
      %add3A_86 = arith.constant 0 : i32
      %add3A_87 = arith.addi %mul3A_85, %add3A_86 : i32
      %dma_wait3A = arith.constant 0 : i32
      %dma_wait3A_88 = tpu.memref_slice %arg6[%add3A_87, %dma_wait3A] : memref<80x128xi32, #tpu.memory_space<vmem>> -> memref<1x128xi32, #tpu.memory_space<vmem>>
      %dma_wait3A_89 = tpu.memref_squeeze %dma_wait3A_88 : memref<1x128xi32, #tpu.memory_space<vmem>> -> memref<128xi32, #tpu.memory_space<vmem>>
      %dma_wait3A_90 = arith.constant 0 : i32
      %dma_wait3A_91 = arith.constant 0 : i32
      %dma_wait3A_92 = tpu.memref_slice %arg2[%dma_wait3A_90, %dma_wait3A_91] : memref<40000x64xf32, #tpu.memory_space<hbm>> -> memref<40000x64xf32, #tpu.memory_space<hbm>>
      tpu.wait_indirect_dma semaphore(%arg12 : memref<!tpu.dma_semaphore, #tpu.memory_space<semaphore_mem>>) src(%dma_wait3A_92 : memref<40000x64xf32, #tpu.memory_space<hbm>>) dst(%arg8 : memref<128x64xf32, #tpu.memory_space<vmem>>)
      "tpu.region"() ({
        %run_scoped3A = tpu.sem_alloc : memref<!tpu.dma_semaphore, #tpu.memory_space<semaphore_mem>>
        %dma_start3A_112 = arith.constant 0 : i32
        %dma_start3A_113 = tpu.memref_slice %arg7[%add3A_87, %dma_start3A_112] : memref<80x128xi32, #tpu.memory_space<vmem>> -> memref<1x128xi32, #tpu.memory_space<vmem>>
        %dma_start3A_114 = tpu.memref_squeeze %dma_start3A_113 : memref<1x128xi32, #tpu.memory_space<vmem>> -> memref<128xi32, #tpu.memory_space<vmem>>
        %dma_start3A_115 = arith.constant 0 : i32
        %dma_start3A_116 = arith.constant 0 : i32
        %dma_start3A_117 = tpu.memref_slice %arg11[%dma_start3A_115, %dma_start3A_116] : memref<10240x64xf32, #tpu.memory_space<vmem_shared>> -> memref<10240x64xf32, #tpu.memory_space<vmem_shared>>
        tpu.enqueue_indirect_dma source(%arg8 : memref<128x64xf32, #tpu.memory_space<vmem>>) target(%dma_start3A_117 : memref<10240x64xf32, #tpu.memory_space<vmem_shared>>) offsets(%dma_start3A_114 : memref<128xi32, #tpu.memory_space<vmem>>) semaphore(%run_scoped3A : memref<!tpu.dma_semaphore, #tpu.memory_space<semaphore_mem>>) {add = true}
        %dma_wait3A_118 = arith.constant 0 : i32
        %dma_wait3A_119 = tpu.memref_slice %arg7[%add3A_87, %dma_wait3A_118] : memref<80x128xi32, #tpu.memory_space<vmem>> -> memref<1x128xi32, #tpu.memory_space<vmem>>
        %dma_wait3A_120 = tpu.memref_squeeze %dma_wait3A_119 : memref<1x128xi32, #tpu.memory_space<vmem>> -> memref<128xi32, #tpu.memory_space<vmem>>
        %dma_wait3A_121 = arith.constant 0 : i32
        %dma_wait3A_122 = arith.constant 0 : i32
        %dma_wait3A_123 = tpu.memref_slice %arg11[%dma_wait3A_121, %dma_wait3A_122] : memref<10240x64xf32, #tpu.memory_space<vmem_shared>> -> memref<10240x64xf32, #tpu.memory_space<vmem_shared>>
        tpu.wait_indirect_dma semaphore(%run_scoped3A : memref<!tpu.dma_semaphore, #tpu.memory_space<semaphore_mem>>) src(%arg8 : memref<128x64xf32, #tpu.memory_space<vmem>>) dst(%dma_wait3A_123 : memref<10240x64xf32, #tpu.memory_space<vmem_shared>>)
        tpu.yield
      }) : () -> ()
      %add3A_93 = arith.constant 2 : i32
      %add3A_94 = arith.addi %add3A_87, %add3A_93 : i32
      %lt3A = arith.constant 80 : i32
      %lt3A_95 = arith.cmpi slt, %add3A_94, %lt3A : i32
      %convert_element_type3A = arith.extui %lt3A_95 : i1 to i32
      %cond3A = arith.constant 0 : i32
      %cond3A_96 = arith.cmpi ne, %convert_element_type3A, %cond3A : i32
      scf.if %cond3A_96 {
        %add3A_112 = arith.constant 2 : i32
        %add3A_113 = arith.addi %add3A_87, %add3A_112 : i32
        %dma_start3A_114 = arith.constant 0 : i32
        %dma_start3A_115 = tpu.memref_slice %arg6[%add3A_113, %dma_start3A_114] : memref<80x128xi32, #tpu.memory_space<vmem>> -> memref<1x128xi32, #tpu.memory_space<vmem>>
        %dma_start3A_116 = tpu.memref_squeeze %dma_start3A_115 : memref<1x128xi32, #tpu.memory_space<vmem>> -> memref<128xi32, #tpu.memory_space<vmem>>
        %dma_start3A_117 = arith.constant 0 : i32
        %dma_start3A_118 = arith.constant 0 : i32
        %dma_start3A_119 = tpu.memref_slice %arg2[%dma_start3A_117, %dma_start3A_118] : memref<40000x64xf32, #tpu.memory_space<hbm>> -> memref<40000x64xf32, #tpu.memory_space<hbm>>
        tpu.enqueue_indirect_dma source(%dma_start3A_119 : memref<40000x64xf32, #tpu.memory_space<hbm>>) target(%arg8 : memref<128x64xf32, #tpu.memory_space<vmem>>) offsets(%dma_start3A_116 : memref<128xi32, #tpu.memory_space<vmem>>) semaphore(%arg12 : memref<!tpu.dma_semaphore, #tpu.memory_space<semaphore_mem>>)
      } else {
      }
      %add3A_97 = arith.constant 1 : i32
      %add3A_98 = arith.addi %mul3A_85, %add3A_97 : i32
      %dma_wait3A_99 = arith.constant 0 : i32
      %dma_wait3A_100 = tpu.memref_slice %arg6[%add3A_98, %dma_wait3A_99] : memref<80x128xi32, #tpu.memory_space<vmem>> -> memref<1x128xi32, #tpu.memory_space<vmem>>
      %dma_wait3A_101 = tpu.memref_squeeze %dma_wait3A_100 : memref<1x128xi32, #tpu.memory_space<vmem>> -> memref<128xi32, #tpu.memory_space<vmem>>
      %dma_wait3A_102 = arith.constant 0 : i32
      %dma_wait3A_103 = arith.constant 0 : i32
      %dma_wait3A_104 = tpu.memref_slice %arg2[%dma_wait3A_102, %dma_wait3A_103] : memref<40000x64xf32, #tpu.memory_space<hbm>> -> memref<40000x64xf32, #tpu.memory_space<hbm>>
      tpu.wait_indirect_dma semaphore(%arg13 : memref<!tpu.dma_semaphore, #tpu.memory_space<semaphore_mem>>) src(%dma_wait3A_104 : memref<40000x64xf32, #tpu.memory_space<hbm>>) dst(%arg9 : memref<128x64xf32, #tpu.memory_space<vmem>>)
      "tpu.region"() ({
        %run_scoped3A = tpu.sem_alloc : memref<!tpu.dma_semaphore, #tpu.memory_space<semaphore_mem>>
        %dma_start3A_112 = arith.constant 0 : i32
        %dma_start3A_113 = tpu.memref_slice %arg7[%add3A_98, %dma_start3A_112] : memref<80x128xi32, #tpu.memory_space<vmem>> -> memref<1x128xi32, #tpu.memory_space<vmem>>
        %dma_start3A_114 = tpu.memref_squeeze %dma_start3A_113 : memref<1x128xi32, #tpu.memory_space<vmem>> -> memref<128xi32, #tpu.memory_space<vmem>>
        %dma_start3A_115 = arith.constant 0 : i32
        %dma_start3A_116 = arith.constant 0 : i32
        %dma_start3A_117 = tpu.memref_slice %arg11[%dma_start3A_115, %dma_start3A_116] : memref<10240x64xf32, #tpu.memory_space<vmem_shared>> -> memref<10240x64xf32, #tpu.memory_space<vmem_shared>>
        tpu.enqueue_indirect_dma source(%arg9 : memref<128x64xf32, #tpu.memory_space<vmem>>) target(%dma_start3A_117 : memref<10240x64xf32, #tpu.memory_space<vmem_shared>>) offsets(%dma_start3A_114 : memref<128xi32, #tpu.memory_space<vmem>>) semaphore(%run_scoped3A : memref<!tpu.dma_semaphore, #tpu.memory_space<semaphore_mem>>) {add = true}
        %dma_wait3A_118 = arith.constant 0 : i32
        %dma_wait3A_119 = tpu.memref_slice %arg7[%add3A_98, %dma_wait3A_118] : memref<80x128xi32, #tpu.memory_space<vmem>> -> memref<1x128xi32, #tpu.memory_space<vmem>>
        %dma_wait3A_120 = tpu.memref_squeeze %dma_wait3A_119 : memref<1x128xi32, #tpu.memory_space<vmem>> -> memref<128xi32, #tpu.memory_space<vmem>>
        %dma_wait3A_121 = arith.constant 0 : i32
        %dma_wait3A_122 = arith.constant 0 : i32
        %dma_wait3A_123 = tpu.memref_slice %arg11[%dma_wait3A_121, %dma_wait3A_122] : memref<10240x64xf32, #tpu.memory_space<vmem_shared>> -> memref<10240x64xf32, #tpu.memory_space<vmem_shared>>
        tpu.wait_indirect_dma semaphore(%run_scoped3A : memref<!tpu.dma_semaphore, #tpu.memory_space<semaphore_mem>>) src(%arg9 : memref<128x64xf32, #tpu.memory_space<vmem>>) dst(%dma_wait3A_123 : memref<10240x64xf32, #tpu.memory_space<vmem_shared>>)
        tpu.yield
      }) : () -> ()
      %add3A_105 = arith.constant 2 : i32
      %add3A_106 = arith.addi %add3A_98, %add3A_105 : i32
      %lt3A_107 = arith.constant 80 : i32
      %lt3A_108 = arith.cmpi slt, %add3A_106, %lt3A_107 : i32
      %convert_element_type3A_109 = arith.extui %lt3A_108 : i1 to i32
      %cond3A_110 = arith.constant 0 : i32
      %cond3A_111 = arith.cmpi ne, %convert_element_type3A_109, %cond3A_110 : i32
      scf.if %cond3A_111 {
        %add3A_112 = arith.constant 2 : i32
        %add3A_113 = arith.addi %add3A_98, %add3A_112 : i32
        %dma_start3A_114 = arith.constant 0 : i32
        %dma_start3A_115 = tpu.memref_slice %arg6[%add3A_113, %dma_start3A_114] : memref<80x128xi32, #tpu.memory_space<vmem>> -> memref<1x128xi32, #tpu.memory_space<vmem>>
        %dma_start3A_116 = tpu.memref_squeeze %dma_start3A_115 : memref<1x128xi32, #tpu.memory_space<vmem>> -> memref<128xi32, #tpu.memory_space<vmem>>
        %dma_start3A_117 = arith.constant 0 : i32
        %dma_start3A_118 = arith.constant 0 : i32
        %dma_start3A_119 = tpu.memref_slice %arg2[%dma_start3A_117, %dma_start3A_118] : memref<40000x64xf32, #tpu.memory_space<hbm>> -> memref<40000x64xf32, #tpu.memory_space<hbm>>
        tpu.enqueue_indirect_dma source(%dma_start3A_119 : memref<40000x64xf32, #tpu.memory_space<hbm>>) target(%arg9 : memref<128x64xf32, #tpu.memory_space<vmem>>) offsets(%dma_start3A_116 : memref<128xi32, #tpu.memory_space<vmem>>) semaphore(%arg13 : memref<!tpu.dma_semaphore, #tpu.memory_space<semaphore_mem>>)
      } else {
      }
    }
    %scan3A_31 = arith.constant 40 : i32
    %barrier3A_32 = arith.constant 0 : index
    tpu.barrier barrier_id(%barrier3A_32)
    %mul3A_33 = arith.constant 640 : i32
    %mul3A_34 = arith.muli %arg1, %mul3A_33 : i32
    %mul3A_35 = arith.constant 2 : i32
    %mul3A_36 = arith.muli %mul3A_35, %arg0 : i32
    %add3A_37 = arith.constant 0 : i32
    %add3A_38 = arith.addi %mul3A_36, %add3A_37 : i32
    %mul3A_39 = arith.constant 640 : i32
    %mul3A_40 = arith.muli %arg1, %mul3A_39 : i32
    "tpu.region"() ({
      %run_scoped3A = tpu.sem_alloc : memref<!tpu.dma_semaphore, #tpu.memory_space<semaphore_mem>>
      %dma_start3A_83 = arith.constant 0 : i32
      %dma_start3A_84 = tpu.memref_slice %arg5[%add3A_38, %mul3A_40, %dma_start3A_83] : memref<4x10240x64xf32, #tpu.memory_space<hbm>> -> memref<1x640x64xf32, #tpu.memory_space<hbm>>
      %dma_start3A_85 = tpu.memref_squeeze %dma_start3A_84 : memref<1x640x64xf32, #tpu.memory_space<hbm>> -> memref<640x64xf32, #tpu.memory_space<hbm>>
      %dma_start3A_86 = arith.constant 0 : i32
      %dma_start3A_87 = tpu.memref_slice %arg11[%mul3A_34, %dma_start3A_86] : memref<10240x64xf32, #tpu.memory_space<vmem_shared>> -> memref<640x64xf32, #tpu.memory_space<vmem_shared>>
      tpu.enqueue_dma source(%dma_start3A_87 : memref<640x64xf32, #tpu.memory_space<vmem_shared>>) target(%dma_start3A_85 : memref<640x64xf32, #tpu.memory_space<hbm>>) target_semaphore(%run_scoped3A : memref<!tpu.dma_semaphore, #tpu.memory_space<semaphore_mem>>)
      %dma_wait3A = arith.constant 0 : i32
      %dma_wait3A_88 = tpu.memref_slice %arg5[%add3A_38, %mul3A_40, %dma_wait3A] : memref<4x10240x64xf32, #tpu.memory_space<hbm>> -> memref<1x640x64xf32, #tpu.memory_space<hbm>>
      %dma_wait3A_89 = tpu.memref_squeeze %dma_wait3A_88 : memref<1x640x64xf32, #tpu.memory_space<hbm>> -> memref<640x64xf32, #tpu.memory_space<hbm>>
      %dma_wait3A_90 = arith.constant 0 : i32
      %dma_wait3A_91 = tpu.memref_slice %arg11[%mul3A_34, %dma_wait3A_90] : memref<10240x64xf32, #tpu.memory_space<vmem_shared>> -> memref<640x64xf32, #tpu.memory_space<vmem_shared>>
      tpu.wait_dma2 semaphore(%run_scoped3A : memref<!tpu.dma_semaphore, #tpu.memory_space<semaphore_mem>>) src(%dma_wait3A_91 : memref<640x64xf32, #tpu.memory_space<vmem_shared>>) dst(%dma_wait3A_89 : memref<640x64xf32, #tpu.memory_space<hbm>>)
      tpu.yield
    }) : () -> ()
    %barrier3A_41 = arith.constant 0 : index
    tpu.barrier barrier_id(%barrier3A_41)
    %scan3A_42 = arith.constant 0 : i32
    %scan3A_43 = arith.constant 0 : i32
    %scan3A_44 = arith.constant 5 : i32
    %scan3A_45 = arith.addi %scan3A_43, %scan3A_44 : i32
    %scan3A_46 = arith.constant 1 : i32
    scf.for %scan3A_83 = %scan3A_43 to %scan3A_45 step %scan3A_46  : i32 {
      %mul3A_84 = arith.constant 640 : i32
      %mul3A_85 = arith.muli %arg1, %mul3A_84 : i32
      %mul3A_86 = arith.constant 128 : i32
      %mul3A_87 = arith.muli %scan3A_83, %mul3A_86 : i32
      %add3A_88 = arith.addi %mul3A_85, %mul3A_87 : i32
      "tpu.region"() ({
        %run_scoped3A = tpu.sem_alloc : memref<!tpu.dma_semaphore, #tpu.memory_space<semaphore_mem>>
        %dma_start3A_89 = arith.constant 0 : i32
        %dma_start3A_90 = tpu.memref_slice %arg11[%add3A_88, %dma_start3A_89] : memref<10240x64xf32, #tpu.memory_space<vmem_shared>> -> memref<128x64xf32, #tpu.memory_space<vmem_shared>>
        %dma_start3A_91 = arith.constant 0 : i32
        %dma_start3A_92 = tpu.memref_slice %arg11[%add3A_88, %dma_start3A_91] : memref<10240x64xf32, #tpu.memory_space<vmem_shared>> -> memref<128x64xf32, #tpu.memory_space<vmem_shared>>
        tpu.enqueue_dma source(%arg10 : memref<128x64xf32, #tpu.memory_space<vmem>>) target(%dma_start3A_92 : memref<128x64xf32, #tpu.memory_space<vmem_shared>>) target_semaphore(%run_scoped3A : memref<!tpu.dma_semaphore, #tpu.memory_space<semaphore_mem>>)
        %dma_wait3A = arith.constant 0 : i32
        %dma_wait3A_93 = tpu.memref_slice %arg11[%add3A_88, %dma_wait3A] : memref<10240x64xf32, #tpu.memory_space<vmem_shared>> -> memref<128x64xf32, #tpu.memory_space<vmem_shared>>
        %dma_wait3A_94 = arith.constant 0 : i32
        %dma_wait3A_95 = tpu.memref_slice %arg11[%add3A_88, %dma_wait3A_94] : memref<10240x64xf32, #tpu.memory_space<vmem_shared>> -> memref<128x64xf32, #tpu.memory_space<vmem_shared>>
        tpu.wait_dma2 semaphore(%run_scoped3A : memref<!tpu.dma_semaphore, #tpu.memory_space<semaphore_mem>>) src(%arg10 : memref<128x64xf32, #tpu.memory_space<vmem>>) dst(%dma_wait3A_95 : memref<128x64xf32, #tpu.memory_space<vmem_shared>>)
        tpu.yield
      }) : () -> ()
    }
    %scan3A_47 = arith.constant 5 : i32
    %mul3A_48 = arith.constant 2 : i32
    %mul3A_49 = arith.muli %mul3A_48, %arg0 : i32
    %add3A_50 = arith.constant 1 : i32
    %add3A_51 = arith.addi %mul3A_49, %add3A_50 : i32
    "tpu.region"() ({
      %run_scoped3A = tpu.sem_alloc : memref<!tpu.dma_semaphore, #tpu.memory_space<semaphore_mem>>
      %dma_start3A_83 = arith.constant 0 : i32
      %dma_start3A_84 = arith.constant 0 : i32
      %dma_start3A_85 = tpu.memref_slice %arg3[%add3A_51, %arg1, %dma_start3A_83, %dma_start3A_84] : memref<4x16x80x128xi32, #tpu.memory_space<hbm>> -> memref<1x1x80x128xi32, #tpu.memory_space<hbm>>
      %dma_start3A_86 = tpu.memref_squeeze %dma_start3A_85 : memref<1x1x80x128xi32, #tpu.memory_space<hbm>> -> memref<80x128xi32, #tpu.memory_space<hbm>>
      %dma_start3A_87 = arith.constant 0 : i32
      %dma_start3A_88 = arith.constant 0 : i32
      %dma_start3A_89 = tpu.memref_slice %arg3[%add3A_51, %arg1, %dma_start3A_87, %dma_start3A_88] : memref<4x16x80x128xi32, #tpu.memory_space<hbm>> -> memref<1x1x80x128xi32, #tpu.memory_space<hbm>>
      %dma_start3A_90 = tpu.memref_squeeze %dma_start3A_89 : memref<1x1x80x128xi32, #tpu.memory_space<hbm>> -> memref<80x128xi32, #tpu.memory_space<hbm>>
      tpu.enqueue_dma source(%dma_start3A_90 : memref<80x128xi32, #tpu.memory_space<hbm>>) target(%arg6 : memref<80x128xi32, #tpu.memory_space<vmem>>) target_semaphore(%run_scoped3A : memref<!tpu.dma_semaphore, #tpu.memory_space<semaphore_mem>>)
      %dma_wait3A = arith.constant 0 : i32
      %dma_wait3A_91 = arith.constant 0 : i32
      %dma_wait3A_92 = tpu.memref_slice %arg3[%add3A_51, %arg1, %dma_wait3A, %dma_wait3A_91] : memref<4x16x80x128xi32, #tpu.memory_space<hbm>> -> memref<1x1x80x128xi32, #tpu.memory_space<hbm>>
      %dma_wait3A_93 = tpu.memref_squeeze %dma_wait3A_92 : memref<1x1x80x128xi32, #tpu.memory_space<hbm>> -> memref<80x128xi32, #tpu.memory_space<hbm>>
      %dma_wait3A_94 = arith.constant 0 : i32
      %dma_wait3A_95 = arith.constant 0 : i32
      %dma_wait3A_96 = tpu.memref_slice %arg3[%add3A_51, %arg1, %dma_wait3A_94, %dma_wait3A_95] : memref<4x16x80x128xi32, #tpu.memory_space<hbm>> -> memref<1x1x80x128xi32, #tpu.memory_space<hbm>>
      %dma_wait3A_97 = tpu.memref_squeeze %dma_wait3A_96 : memref<1x1x80x128xi32, #tpu.memory_space<hbm>> -> memref<80x128xi32, #tpu.memory_space<hbm>>
      tpu.wait_dma2 semaphore(%run_scoped3A : memref<!tpu.dma_semaphore, #tpu.memory_space<semaphore_mem>>) src(%dma_wait3A_97 : memref<80x128xi32, #tpu.memory_space<hbm>>) dst(%arg6 : memref<80x128xi32, #tpu.memory_space<vmem>>)
      tpu.yield
    }) : () -> ()
    %barrier3A_52 = arith.constant 0 : index
    tpu.barrier barrier_id(%barrier3A_52)
    %dma_start3A_53 = arith.constant 0 : i32
    %dma_start3A_54 = arith.constant 0 : i32
    %dma_start3A_55 = tpu.memref_slice %arg6[%dma_start3A_53, %dma_start3A_54] : memref<80x128xi32, #tpu.memory_space<vmem>> -> memref<1x128xi32, #tpu.memory_space<vmem>>
    %dma_start3A_56 = tpu.memref_squeeze %dma_start3A_55 : memref<1x128xi32, #tpu.memory_space<vmem>> -> memref<128xi32, #tpu.memory_space<vmem>>
    %dma_start3A_57 = arith.constant 0 : i32
    %dma_start3A_58 = arith.constant 0 : i32
    %dma_start3A_59 = tpu.memref_slice %arg2[%dma_start3A_57, %dma_start3A_58] : memref<40000x64xf32, #tpu.memory_space<hbm>> -> memref<40000x64xf32, #tpu.memory_space<hbm>>
    tpu.enqueue_indirect_dma source(%dma_start3A_59 : memref<40000x64xf32, #tpu.memory_space<hbm>>) target(%arg8 : memref<128x64xf32, #tpu.memory_space<vmem>>) offsets(%dma_start3A_56 : memref<128xi32, #tpu.memory_space<vmem>>) semaphore(%arg12 : memref<!tpu.dma_semaphore, #tpu.memory_space<semaphore_mem>>)
    %dma_start3A_60 = arith.constant 1 : i32
    %dma_start3A_61 = arith.constant 0 : i32
    %dma_start3A_62 = tpu.memref_slice %arg6[%dma_start3A_60, %dma_start3A_61] : memref<80x128xi32, #tpu.memory_space<vmem>> -> memref<1x128xi32, #tpu.memory_space<vmem>>
    %dma_start3A_63 = tpu.memref_squeeze %dma_start3A_62 : memref<1x128xi32, #tpu.memory_space<vmem>> -> memref<128xi32, #tpu.memory_space<vmem>>
    %dma_start3A_64 = arith.constant 0 : i32
    %dma_start3A_65 = arith.constant 0 : i32
    %dma_start3A_66 = tpu.memref_slice %arg2[%dma_start3A_64, %dma_start3A_65] : memref<40000x64xf32, #tpu.memory_space<hbm>> -> memref<40000x64xf32, #tpu.memory_space<hbm>>
    tpu.enqueue_indirect_dma source(%dma_start3A_66 : memref<40000x64xf32, #tpu.memory_space<hbm>>) target(%arg9 : memref<128x64xf32, #tpu.memory_space<vmem>>) offsets(%dma_start3A_63 : memref<128xi32, #tpu.memory_space<vmem>>) semaphore(%arg13 : memref<!tpu.dma_semaphore, #tpu.memory_space<semaphore_mem>>)
    %scan3A_67 = arith.constant 0 : i32
    %scan3A_68 = arith.constant 0 : i32
    %scan3A_69 = arith.constant 40 : i32
    %scan3A_70 = arith.addi %scan3A_68, %scan3A_69 : i32
    %scan3A_71 = arith.constant 1 : i32
    scf.for %scan3A_83 = %scan3A_68 to %scan3A_70 step %scan3A_71  : i32 {
      %mul3A_84 = arith.constant 2 : i32
      %mul3A_85 = arith.muli %scan3A_83, %mul3A_84 : i32
      %add3A_86 = arith.constant 0 : i32
      %add3A_87 = arith.addi %mul3A_85, %add3A_86 : i32
      %dma_wait3A = arith.constant 0 : i32
      %dma_wait3A_88 = tpu.memref_slice %arg6[%add3A_87, %dma_wait3A] : memref<80x128xi32, #tpu.memory_space<vmem>> -> memref<1x128xi32, #tpu.memory_space<vmem>>
      %dma_wait3A_89 = tpu.memref_squeeze %dma_wait3A_88 : memref<1x128xi32, #tpu.memory_space<vmem>> -> memref<128xi32, #tpu.memory_space<vmem>>
      %dma_wait3A_90 = arith.constant 0 : i32
      %dma_wait3A_91 = arith.constant 0 : i32
      %dma_wait3A_92 = tpu.memref_slice %arg2[%dma_wait3A_90, %dma_wait3A_91] : memref<40000x64xf32, #tpu.memory_space<hbm>> -> memref<40000x64xf32, #tpu.memory_space<hbm>>
      tpu.wait_indirect_dma semaphore(%arg12 : memref<!tpu.dma_semaphore, #tpu.memory_space<semaphore_mem>>) src(%dma_wait3A_92 : memref<40000x64xf32, #tpu.memory_space<hbm>>) dst(%arg8 : memref<128x64xf32, #tpu.memory_space<vmem>>)
      "tpu.region"() ({
        %run_scoped3A = tpu.sem_alloc : memref<!tpu.dma_semaphore, #tpu.memory_space<semaphore_mem>>
        %dma_start3A_112 = arith.constant 0 : i32
        %dma_start3A_113 = tpu.memref_slice %arg7[%add3A_87, %dma_start3A_112] : memref<80x128xi32, #tpu.memory_space<vmem>> -> memref<1x128xi32, #tpu.memory_space<vmem>>
        %dma_start3A_114 = tpu.memref_squeeze %dma_start3A_113 : memref<1x128xi32, #tpu.memory_space<vmem>> -> memref<128xi32, #tpu.memory_space<vmem>>
        %dma_start3A_115 = arith.constant 0 : i32
        %dma_start3A_116 = arith.constant 0 : i32
        %dma_start3A_117 = tpu.memref_slice %arg11[%dma_start3A_115, %dma_start3A_116] : memref<10240x64xf32, #tpu.memory_space<vmem_shared>> -> memref<10240x64xf32, #tpu.memory_space<vmem_shared>>
        tpu.enqueue_indirect_dma source(%arg8 : memref<128x64xf32, #tpu.memory_space<vmem>>) target(%dma_start3A_117 : memref<10240x64xf32, #tpu.memory_space<vmem_shared>>) offsets(%dma_start3A_114 : memref<128xi32, #tpu.memory_space<vmem>>) semaphore(%run_scoped3A : memref<!tpu.dma_semaphore, #tpu.memory_space<semaphore_mem>>) {add = true}
        %dma_wait3A_118 = arith.constant 0 : i32
        %dma_wait3A_119 = tpu.memref_slice %arg7[%add3A_87, %dma_wait3A_118] : memref<80x128xi32, #tpu.memory_space<vmem>> -> memref<1x128xi32, #tpu.memory_space<vmem>>
        %dma_wait3A_120 = tpu.memref_squeeze %dma_wait3A_119 : memref<1x128xi32, #tpu.memory_space<vmem>> -> memref<128xi32, #tpu.memory_space<vmem>>
        %dma_wait3A_121 = arith.constant 0 : i32
        %dma_wait3A_122 = arith.constant 0 : i32
        %dma_wait3A_123 = tpu.memref_slice %arg11[%dma_wait3A_121, %dma_wait3A_122] : memref<10240x64xf32, #tpu.memory_space<vmem_shared>> -> memref<10240x64xf32, #tpu.memory_space<vmem_shared>>
        tpu.wait_indirect_dma semaphore(%run_scoped3A : memref<!tpu.dma_semaphore, #tpu.memory_space<semaphore_mem>>) src(%arg8 : memref<128x64xf32, #tpu.memory_space<vmem>>) dst(%dma_wait3A_123 : memref<10240x64xf32, #tpu.memory_space<vmem_shared>>)
        tpu.yield
      }) : () -> ()
      %add3A_93 = arith.constant 2 : i32
      %add3A_94 = arith.addi %add3A_87, %add3A_93 : i32
      %lt3A = arith.constant 80 : i32
      %lt3A_95 = arith.cmpi slt, %add3A_94, %lt3A : i32
      %convert_element_type3A = arith.extui %lt3A_95 : i1 to i32
      %cond3A = arith.constant 0 : i32
      %cond3A_96 = arith.cmpi ne, %convert_element_type3A, %cond3A : i32
      scf.if %cond3A_96 {
        %add3A_112 = arith.constant 2 : i32
        %add3A_113 = arith.addi %add3A_87, %add3A_112 : i32
        %dma_start3A_114 = arith.constant 0 : i32
        %dma_start3A_115 = tpu.memref_slice %arg6[%add3A_113, %dma_start3A_114] : memref<80x128xi32, #tpu.memory_space<vmem>> -> memref<1x128xi32, #tpu.memory_space<vmem>>
        %dma_start3A_116 = tpu.memref_squeeze %dma_start3A_115 : memref<1x128xi32, #tpu.memory_space<vmem>> -> memref<128xi32, #tpu.memory_space<vmem>>
        %dma_start3A_117 = arith.constant 0 : i32
        %dma_start3A_118 = arith.constant 0 : i32
        %dma_start3A_119 = tpu.memref_slice %arg2[%dma_start3A_117, %dma_start3A_118] : memref<40000x64xf32, #tpu.memory_space<hbm>> -> memref<40000x64xf32, #tpu.memory_space<hbm>>
        tpu.enqueue_indirect_dma source(%dma_start3A_119 : memref<40000x64xf32, #tpu.memory_space<hbm>>) target(%arg8 : memref<128x64xf32, #tpu.memory_space<vmem>>) offsets(%dma_start3A_116 : memref<128xi32, #tpu.memory_space<vmem>>) semaphore(%arg12 : memref<!tpu.dma_semaphore, #tpu.memory_space<semaphore_mem>>)
      } else {
      }
      %add3A_97 = arith.constant 1 : i32
      %add3A_98 = arith.addi %mul3A_85, %add3A_97 : i32
      %dma_wait3A_99 = arith.constant 0 : i32
      %dma_wait3A_100 = tpu.memref_slice %arg6[%add3A_98, %dma_wait3A_99] : memref<80x128xi32, #tpu.memory_space<vmem>> -> memref<1x128xi32, #tpu.memory_space<vmem>>
      %dma_wait3A_101 = tpu.memref_squeeze %dma_wait3A_100 : memref<1x128xi32, #tpu.memory_space<vmem>> -> memref<128xi32, #tpu.memory_space<vmem>>
      %dma_wait3A_102 = arith.constant 0 : i32
      %dma_wait3A_103 = arith.constant 0 : i32
      %dma_wait3A_104 = tpu.memref_slice %arg2[%dma_wait3A_102, %dma_wait3A_103] : memref<40000x64xf32, #tpu.memory_space<hbm>> -> memref<40000x64xf32, #tpu.memory_space<hbm>>
      tpu.wait_indirect_dma semaphore(%arg13 : memref<!tpu.dma_semaphore, #tpu.memory_space<semaphore_mem>>) src(%dma_wait3A_104 : memref<40000x64xf32, #tpu.memory_space<hbm>>) dst(%arg9 : memref<128x64xf32, #tpu.memory_space<vmem>>)
      "tpu.region"() ({
        %run_scoped3A = tpu.sem_alloc : memref<!tpu.dma_semaphore, #tpu.memory_space<semaphore_mem>>
        %dma_start3A_112 = arith.constant 0 : i32
        %dma_start3A_113 = tpu.memref_slice %arg7[%add3A_98, %dma_start3A_112] : memref<80x128xi32, #tpu.memory_space<vmem>> -> memref<1x128xi32, #tpu.memory_space<vmem>>
        %dma_start3A_114 = tpu.memref_squeeze %dma_start3A_113 : memref<1x128xi32, #tpu.memory_space<vmem>> -> memref<128xi32, #tpu.memory_space<vmem>>
        %dma_start3A_115 = arith.constant 0 : i32
        %dma_start3A_116 = arith.constant 0 : i32
        %dma_start3A_117 = tpu.memref_slice %arg11[%dma_start3A_115, %dma_start3A_116] : memref<10240x64xf32, #tpu.memory_space<vmem_shared>> -> memref<10240x64xf32, #tpu.memory_space<vmem_shared>>
        tpu.enqueue_indirect_dma source(%arg9 : memref<128x64xf32, #tpu.memory_space<vmem>>) target(%dma_start3A_117 : memref<10240x64xf32, #tpu.memory_space<vmem_shared>>) offsets(%dma_start3A_114 : memref<128xi32, #tpu.memory_space<vmem>>) semaphore(%run_scoped3A : memref<!tpu.dma_semaphore, #tpu.memory_space<semaphore_mem>>) {add = true}
        %dma_wait3A_118 = arith.constant 0 : i32
        %dma_wait3A_119 = tpu.memref_slice %arg7[%add3A_98, %dma_wait3A_118] : memref<80x128xi32, #tpu.memory_space<vmem>> -> memref<1x128xi32, #tpu.memory_space<vmem>>
        %dma_wait3A_120 = tpu.memref_squeeze %dma_wait3A_119 : memref<1x128xi32, #tpu.memory_space<vmem>> -> memref<128xi32, #tpu.memory_space<vmem>>
        %dma_wait3A_121 = arith.constant 0 : i32
        %dma_wait3A_122 = arith.constant 0 : i32
        %dma_wait3A_123 = tpu.memref_slice %arg11[%dma_wait3A_121, %dma_wait3A_122] : memref<10240x64xf32, #tpu.memory_space<vmem_shared>> -> memref<10240x64xf32, #tpu.memory_space<vmem_shared>>
        tpu.wait_indirect_dma semaphore(%run_scoped3A : memref<!tpu.dma_semaphore, #tpu.memory_space<semaphore_mem>>) src(%arg9 : memref<128x64xf32, #tpu.memory_space<vmem>>) dst(%dma_wait3A_123 : memref<10240x64xf32, #tpu.memory_space<vmem_shared>>)
        tpu.yield
      }) : () -> ()
      %add3A_105 = arith.constant 2 : i32
      %add3A_106 = arith.addi %add3A_98, %add3A_105 : i32
      %lt3A_107 = arith.constant 80 : i32
      %lt3A_108 = arith.cmpi slt, %add3A_106, %lt3A_107 : i32
      %convert_element_type3A_109 = arith.extui %lt3A_108 : i1 to i32
      %cond3A_110 = arith.constant 0 : i32
      %cond3A_111 = arith.cmpi ne, %convert_element_type3A_109, %cond3A_110 : i32
      scf.if %cond3A_111 {
        %add3A_112 = arith.constant 2 : i32
        %add3A_113 = arith.addi %add3A_98, %add3A_112 : i32
        %dma_start3A_114 = arith.constant 0 : i32
        %dma_start3A_115 = tpu.memref_slice %arg6[%add3A_113, %dma_start3A_114] : memref<80x128xi32, #tpu.memory_space<vmem>> -> memref<1x128xi32, #tpu.memory_space<vmem>>
        %dma_start3A_116 = tpu.memref_squeeze %dma_start3A_115 : memref<1x128xi32, #tpu.memory_space<vmem>> -> memref<128xi32, #tpu.memory_space<vmem>>
        %dma_start3A_117 = arith.constant 0 : i32
        %dma_start3A_118 = arith.constant 0 : i32
        %dma_start3A_119 = tpu.memref_slice %arg2[%dma_start3A_117, %dma_start3A_118] : memref<40000x64xf32, #tpu.memory_space<hbm>> -> memref<40000x64xf32, #tpu.memory_space<hbm>>
        tpu.enqueue_indirect_dma source(%dma_start3A_119 : memref<40000x64xf32, #tpu.memory_space<hbm>>) target(%arg9 : memref<128x64xf32, #tpu.memory_space<vmem>>) offsets(%dma_start3A_116 : memref<128xi32, #tpu.memory_space<vmem>>) semaphore(%arg13 : memref<!tpu.dma_semaphore, #tpu.memory_space<semaphore_mem>>)
      } else {
      }
    }
    %scan3A_72 = arith.constant 40 : i32
    %barrier3A_73 = arith.constant 0 : index
    tpu.barrier barrier_id(%barrier3A_73)
    %mul3A_74 = arith.constant 640 : i32
    %mul3A_75 = arith.muli %arg1, %mul3A_74 : i32
    %mul3A_76 = arith.constant 2 : i32
    %mul3A_77 = arith.muli %mul3A_76, %arg0 : i32
    %add3A_78 = arith.constant 1 : i32
    %add3A_79 = arith.addi %mul3A_77, %add3A_78 : i32
    %mul3A_80 = arith.constant 640 : i32
    %mul3A_81 = arith.muli %arg1, %mul3A_80 : i32
    "tpu.region"() ({
      %run_scoped3A = tpu.sem_alloc : memref<!tpu.dma_semaphore, #tpu.memory_space<semaphore_mem>>
      %dma_start3A_83 = arith.constant 0 : i32
      %dma_start3A_84 = tpu.memref_slice %arg5[%add3A_79, %mul3A_81, %dma_start3A_83] : memref<4x10240x64xf32, #tpu.memory_space<hbm>> -> memref<1x640x64xf32, #tpu.memory_space<hbm>>
      %dma_start3A_85 = tpu.memref_squeeze %dma_start3A_84 : memref<1x640x64xf32, #tpu.memory_space<hbm>> -> memref<640x64xf32, #tpu.memory_space<hbm>>
      %dma_start3A_86 = arith.constant 0 : i32
      %dma_start3A_87 = tpu.memref_slice %arg11[%mul3A_75, %dma_start3A_86] : memref<10240x64xf32, #tpu.memory_space<vmem_shared>> -> memref<640x64xf32, #tpu.memory_space<vmem_shared>>
      tpu.enqueue_dma source(%dma_start3A_87 : memref<640x64xf32, #tpu.memory_space<vmem_shared>>) target(%dma_start3A_85 : memref<640x64xf32, #tpu.memory_space<hbm>>) target_semaphore(%run_scoped3A : memref<!tpu.dma_semaphore, #tpu.memory_space<semaphore_mem>>)
      %dma_wait3A = arith.constant 0 : i32
      %dma_wait3A_88 = tpu.memref_slice %arg5[%add3A_79, %mul3A_81, %dma_wait3A] : memref<4x10240x64xf32, #tpu.memory_space<hbm>> -> memref<1x640x64xf32, #tpu.memory_space<hbm>>
      %dma_wait3A_89 = tpu.memref_squeeze %dma_wait3A_88 : memref<1x640x64xf32, #tpu.memory_space<hbm>> -> memref<640x64xf32, #tpu.memory_space<hbm>>
      %dma_wait3A_90 = arith.constant 0 : i32
      %dma_wait3A_91 = tpu.memref_slice %arg11[%mul3A_75, %dma_wait3A_90] : memref<10240x64xf32, #tpu.memory_space<vmem_shared>> -> memref<640x64xf32, #tpu.memory_space<vmem_shared>>
      tpu.wait_dma2 semaphore(%run_scoped3A : memref<!tpu.dma_semaphore, #tpu.memory_space<semaphore_mem>>) src(%dma_wait3A_91 : memref<640x64xf32, #tpu.memory_space<vmem_shared>>) dst(%dma_wait3A_89 : memref<640x64xf32, #tpu.memory_space<hbm>>)
      tpu.yield
    }) : () -> ()
    %barrier3A_82 = arith.constant 0 : index
    tpu.barrier barrier_id(%barrier3A_82)
    return
  }
}

module attributes {stable_mosaic.version = 14 : i64} {
  func.func @_mlp_body(%arg0: i32, %arg1: memref<1000x256xf32, #tpu.memory_space<vmem>>, %arg2: memref<1x1000x64xf32, #tpu.memory_space<vmem>>, %arg3: memref<1x1000x64xf32, #tpu.memory_space<vmem>>, %arg4: memref<1x1000x64xf32, #tpu.memory_space<vmem>>, %arg5: memref<1x1000x64xf32, #tpu.memory_space<vmem>>, %arg6: memref<256x512xf32, #tpu.memory_space<vmem>>, %arg7: memref<1x512xf32, #tpu.memory_space<vmem>>, %arg8: memref<512x256xf32, #tpu.memory_space<vmem>>, %arg9: memref<1x256xf32, #tpu.memory_space<vmem>>, %arg10: memref<1000x256xf32, #tpu.memory_space<vmem>>) attributes {dimension_semantics = [#tpu.dimension_semantics<arbitrary>], iteration_bounds = array<i64: 10>, scalar_prefetch = 0 : i64, scratch_operands = 0 : i64, tpu.core_type = #tpu.core_type<tc>, window_params = [{transform_indices = @transform_0, window_bounds = array<i64: 1000, 256>}, {transform_indices = @transform_1, window_bounds = array<i64: 1, 1000, 64>}, {transform_indices = @transform_2, window_bounds = array<i64: 1, 1000, 64>}, {transform_indices = @transform_3, window_bounds = array<i64: 1, 1000, 64>}, {transform_indices = @transform_4, window_bounds = array<i64: 1, 1000, 64>}, {pipeline_mode = #tpu.pipeline_mode<synchronous>, transform_indices = @transform_5, window_bounds = array<i64: 256, 512>}, {pipeline_mode = #tpu.pipeline_mode<synchronous>, transform_indices = @transform_6, window_bounds = array<i64: 1, 512>}, {pipeline_mode = #tpu.pipeline_mode<synchronous>, transform_indices = @transform_7, window_bounds = array<i64: 512, 256>}, {pipeline_mode = #tpu.pipeline_mode<synchronous>, transform_indices = @transform_8, window_bounds = array<i64: 1, 256>}, {transform_indices = @transform_9, window_bounds = array<i64: 1000, 256>}]} {
    %get3A = arith.constant 0 : index
    %get3A_0 = arith.constant 0 : index
    %get3A_1 = arith.constant 0 : index
    %get3A_2 = vector.load %arg2[%get3A, %get3A_0, %get3A_1] : memref<1x1000x64xf32, #tpu.memory_space<vmem>>, vector<1x1000x64xf32>
    %get3A_3 = vector.shape_cast %get3A_2 : vector<1x1000x64xf32> to vector<1000x64xf32>
    %get3A_4 = arith.constant 0 : index
    %get3A_5 = arith.constant 0 : index
    %get3A_6 = arith.constant 0 : index
    %get3A_7 = vector.load %arg3[%get3A_4, %get3A_5, %get3A_6] : memref<1x1000x64xf32, #tpu.memory_space<vmem>>, vector<1x1000x64xf32>
    %get3A_8 = vector.shape_cast %get3A_7 : vector<1x1000x64xf32> to vector<1000x64xf32>
    %get3A_9 = arith.constant 0 : index
    %get3A_10 = arith.constant 0 : index
    %get3A_11 = arith.constant 0 : index
    %get3A_12 = vector.load %arg4[%get3A_9, %get3A_10, %get3A_11] : memref<1x1000x64xf32, #tpu.memory_space<vmem>>, vector<1x1000x64xf32>
    %get3A_13 = vector.shape_cast %get3A_12 : vector<1x1000x64xf32> to vector<1000x64xf32>
    %get3A_14 = arith.constant 0 : index
    %get3A_15 = arith.constant 0 : index
    %get3A_16 = arith.constant 0 : index
    %get3A_17 = vector.load %arg5[%get3A_14, %get3A_15, %get3A_16] : memref<1x1000x64xf32, #tpu.memory_space<vmem>>, vector<1x1000x64xf32>
    %get3A_18 = vector.shape_cast %get3A_17 : vector<1x1000x64xf32> to vector<1000x64xf32>
    %concatenate3A = tpu.concatenate %get3A_3, %get3A_8, %get3A_13, %get3A_18 in 1 : vector<1000x64xf32>, vector<1000x64xf32>, vector<1000x64xf32>, vector<1000x64xf32> -> vector<1000x256xf32>
    %get3A_19 = arith.constant 0 : index
    %get3A_20 = arith.constant 0 : index
    %get3A_21 = vector.load %arg1[%get3A_19, %get3A_20] : memref<1000x256xf32, #tpu.memory_space<vmem>>, vector<1000x256xf32>
    %add3A = arith.addf %get3A_21, %concatenate3A : vector<1000x256xf32>
    %get3A_22 = arith.constant 0 : index
    %get3A_23 = arith.constant 0 : index
    %get3A_24 = vector.load %arg6[%get3A_22, %get3A_23] : memref<256x512xf32, #tpu.memory_space<vmem>>, vector<256x512xf32>
    %dot_general3A = arith.constant dense<0.000000e+00> : vector<1000x512xf32>
    %dot_general3A_25 = tpu.matmul %add3A, %get3A_24, %dot_general3A {dimension_numbers = #tpu.dot_dimension_numbers<[1], [0], [0], [1], [0, 0, 1, 1], [], []>, transpose_lhs_hint = false} : vector<1000x256xf32>, vector<256x512xf32>, vector<1000x512xf32> -> vector<1000x512xf32>
    %get3A_26 = arith.constant 0 : index
    %get3A_27 = arith.constant 0 : index
    %get3A_28 = vector.load %arg7[%get3A_26, %get3A_27] : memref<1x512xf32, #tpu.memory_space<vmem>>, vector<1x512xf32>
    %add3A_29 = vector.broadcast %get3A_28 : vector<1x512xf32> to vector<1000x512xf32>
    %add3A_30 = arith.addf %dot_general3A_25, %add3A_29 : vector<1000x512xf32>
    %max3A = arith.constant 0.000000e+00 : f32
    %max3A_31 = vector.broadcast %max3A : f32 to vector<1000x512xf32>
    %max3A_32 = arith.maximumf %add3A_30, %max3A_31 : vector<1000x512xf32>
    %get3A_33 = arith.constant 0 : index
    %get3A_34 = arith.constant 0 : index
    %get3A_35 = vector.load %arg8[%get3A_33, %get3A_34] : memref<512x256xf32, #tpu.memory_space<vmem>>, vector<512x256xf32>
    %dot_general3A_36 = arith.constant dense<0.000000e+00> : vector<1000x256xf32>
    %dot_general3A_37 = tpu.matmul %max3A_32, %get3A_35, %dot_general3A_36 {dimension_numbers = #tpu.dot_dimension_numbers<[1], [0], [0], [1], [0, 0, 1, 1], [], []>, transpose_lhs_hint = false} : vector<1000x512xf32>, vector<512x256xf32>, vector<1000x256xf32> -> vector<1000x256xf32>
    %get3A_38 = arith.constant 0 : index
    %get3A_39 = arith.constant 0 : index
    %get3A_40 = vector.load %arg9[%get3A_38, %get3A_39] : memref<1x256xf32, #tpu.memory_space<vmem>>, vector<1x256xf32>
    %add3A_41 = vector.broadcast %get3A_40 : vector<1x256xf32> to vector<1000x256xf32>
    %add3A_42 = arith.addf %dot_general3A_37, %add3A_41 : vector<1000x256xf32>
    %swap3A = arith.constant 0 : index
    %swap3A_43 = arith.constant 0 : index
    %swap3A_44 = vector.load %arg10[%swap3A, %swap3A_43] : memref<1000x256xf32, #tpu.memory_space<vmem>>, vector<1000x256xf32>
    tpu.vector_store %arg10[%swap3A, %swap3A_43], %add3A_42 {strides = array<i32>} : memref<1000x256xf32, #tpu.memory_space<vmem>>, vector<1000x256xf32>,
    return
  }
  func.func @transform_0(%arg0: i32) -> (i32, i32) {
    %c0_i32 = arith.constant 0 : i32
    %c0_i32_0 = arith.constant 0 : i32
    return %arg0, %c0_i32 : i32, i32
  }
  func.func @transform_1(%arg0: i32) -> (i32, i32, i32) {
    %c0_i32 = arith.constant 0 : i32
    %c0_i32_0 = arith.constant 0 : i32
    %c0_i32_1 = arith.constant 0 : i32
    return %c0_i32, %arg0, %c0_i32_0 : i32, i32, i32
  }
  func.func @transform_2(%arg0: i32) -> (i32, i32, i32) {
    %c1_i32 = arith.constant 1 : i32
    %c0_i32 = arith.constant 0 : i32
    %c0_i32_0 = arith.constant 0 : i32
    return %c1_i32, %arg0, %c0_i32 : i32, i32, i32
  }
  func.func @transform_3(%arg0: i32) -> (i32, i32, i32) {
    %c2_i32 = arith.constant 2 : i32
    %c0_i32 = arith.constant 0 : i32
    %c0_i32_0 = arith.constant 0 : i32
    return %c2_i32, %arg0, %c0_i32 : i32, i32, i32
  }
  func.func @transform_4(%arg0: i32) -> (i32, i32, i32) {
    %c3_i32 = arith.constant 3 : i32
    %c0_i32 = arith.constant 0 : i32
    %c0_i32_0 = arith.constant 0 : i32
    return %c3_i32, %arg0, %c0_i32 : i32, i32, i32
  }
  func.func @transform_5(%arg0: i32) -> (i32, i32) {
    %c0_i32 = arith.constant 0 : i32
    %c0_i32_0 = arith.constant 0 : i32
    %c0_i32_1 = arith.constant 0 : i32
    return %c0_i32, %c0_i32_0 : i32, i32
  }
  func.func @transform_6(%arg0: i32) -> (i32, i32) {
    %c0_i32 = arith.constant 0 : i32
    %c0_i32_0 = arith.constant 0 : i32
    %c0_i32_1 = arith.constant 0 : i32
    return %c0_i32, %c0_i32_0 : i32, i32
  }
  func.func @transform_7(%arg0: i32) -> (i32, i32) {
    %c0_i32 = arith.constant 0 : i32
    %c0_i32_0 = arith.constant 0 : i32
    %c0_i32_1 = arith.constant 0 : i32
    return %c0_i32, %c0_i32_0 : i32, i32
  }
  func.func @transform_8(%arg0: i32) -> (i32, i32) {
    %c0_i32 = arith.constant 0 : i32
    %c0_i32_0 = arith.constant 0 : i32
    %c0_i32_1 = arith.constant 0 : i32
    return %c0_i32, %c0_i32_0 : i32, i32
  }
  func.func @transform_9(%arg0: i32) -> (i32, i32) {
    %c0_i32 = arith.constant 0 : i32
    %c0_i32_0 = arith.constant 0 : i32
    return %arg0, %c0_i32 : i32, i32
  }
}

</mosaic_0001>

<sc_bundles>
// kernel: kernel.4.cloned.1.call-start
scs
__scs_entry_jumppad:
0x0: {  	(pc) =	sbr.rel $0x88, $3  }
0x1: {  	(tag) =	ssettag $0x0;
	lr =	simm.s32 $0x1  }
0x2: {  	[smem:$0x3F9B] =	sst lr;
	_ =	strace $0xD0000000  }
0x3: {  	_ = 	snop  }
0x4: {  	_ = 	snop  }
0x5: {  	_ = 	snop  }
0x6: {  	_ = 	snop  }
0x7: {  	_ = 	snop  }
__scs_overlays_trampoline_lowered:
0x8: {  	[smem:$0x3FAA] =	sst s0  }
0x9: {  	[smem:$0x3FAB] =	sst s1  }
0xa: {  	[smem:$0x3FAC] =	sst s2  }
0xb: {  	[smem:$0x3FAD] =	sst s3  }
0xc: {  	[smem:$0x3FAE] =	sst s4  }
0xd: {  	[smem:$0x3FAF] =	sst s5  }
0xe: {  	[smem:$0x3FB0] =	sst s6  }
0xf: {  	[smem:$0x3FB1] =	sst s7  }
0x10: {  	[smem:$0x3FB2] =	sst s8  }
0x11: {  	[smem:$0x3FB3] =	sst s9;
	s0 =	simm.s32 @!p0 $0x0  }
0x12: {  	s1 =	sld [smem:$0x3F99];
	s0 =	simm.s32 @p0 $0x1  }
0x13: {  	[smem:$0x3FB4] =	sst s0;
	s0 =	simm.s32 @!p1 $0x0  }
0x14: {  	s2 =	sld [smem:$0x3F98];
	s0 =	simm.s32 @p1 $0x1  }
0x15: {  	[smem:$0x3FB5] =	sst s0;
	s0 =	simm.s32 @!p2 $0x0  }
0x16: {  	s3 =	sld [smem:$0x3FDB];
	s0 =	simm.s32 @p2 $0x1  }
0x17: {  	s4 =	simm.s32 $0x1BF5;
	[smem:$0x3FB7] =	sst s0  }
0x18: {  	s0 =	sld [smem:$0x3F9A];
	_ =	swait.ge [sflag:s4], $0x0  }
0x19: {  	s7 =	sld [smem:$0x3F9B]  }
0x1a: {  	s8 =	sadd.s32 $0xFFFFE003, lr  }
0x1b: {  	s9 =	sadd.s32 $0xFFFFFEF7, lr;
	s5 =	simm.s32 $0xFFFFFFFF;
	p2 =	slt.u32 s8, $0xFFFFF086  }
0x1c: {  	p1 =	slt.u32 s9, $0xF7A;
	s5 =	simm.s32 @!p2 $0x0  }
0x1d: {  	s5 =	simm.s32 @p1 $0x1;
	p0 =	seq.s32 s7, s2  }
0x1e: {  	s7 =	smul.u32 @!p0 $0xF7A, s2;
	p2 =	seq.s32 @!p0 s5, $0x0  }
0x1f: {  	s9 =	smul.u32 $0xF7A, s1;
	s8 =	simm.s32 @!p0 $0x1BF5;
	p2 =	por !p2, p0  }
0x20: {  	[sflag:s8] =	ssyncset.s32 @!p0 $0xFFFFF086;
	s6 =	sadd.s32 @!p0 s3, s7;
	s7 =	simm.s32 @!p0 $0x108  }
0x21: {  	s3 =	sadd.s32 s3, s9;
	s6 =	sadd.s32 @!p0 $0x88, s6;
	s7 =	simm.s32 @p2 $0x1082  }
0x22: {  	[simem:s7], [sflag:s8] =	dma.local @!p0 [hbm:s6], $0xF7A  }
0x23: {  	s9 =	sor.u32 $0xD0000000, s2;
	s6 =	simm.s32 $0x108;
	_ =	swait.ge @!p0 [sflag:s8], $0x0  }
0x24: {  	s3 =	sadd.s32 $0x88, s3;
	s6 =	simm.s32 @!p1 $0x1082;
	[sflag:s4] =	ssyncset.s32 $0xFFFFF086  }
0x25: {  	[simem:s6], [sflag:s4] =	dma.local [hbm:s3], $0xF7A  }
0x26: {  	[smem:$0x3F9B] =	sst s1;
	(tag) =	ssettag s2;
	_ =	strace s9  }
0x27: {  	s1 =	sld [smem:$0x3FAB]  }
0x28: {  	s2 =	sld [smem:$0x3FAC]  }
0x29: {  	s4 =	sld [smem:$0x3FAE]  }
0x2a: {  	p0 =	seq.s32 s5, $0x0;
	s5 =	sld [smem:$0x3FAF]  }
0x2b: {  	s6 =	sld [smem:$0x3FB0]  }
0x2c: {  	s7 =	sld [smem:$0x3FB1]  }
0x2d: {  	s3 =	simm.s32 $0x108;
	s8 =	sld [smem:$0x3FB2]  }
0x2e: {  	s3 =	simm.s32 @!p0 $0x1082;
	s9 =	sld [smem:$0x3FB3]  }
0x2f: {  	lr =	sadd.s32 s0, s3;
	s0 =	sld [smem:$0x3FAA]  }
0x30: {  	s3 =	sld [smem:$0x3FAD]  }
0x31: {  	[smem:$0x3FB6] =	sst s10  }
0x32: {  	s10 =	sld [smem:$0x3FB4];
	_ =	sdelay $0x3  }
0x33: {  	p0 =	seq.s32 s10, $0x1;
	s10 =	sld [smem:$0x3FB6];
	_ =	sdelay $0x3  }
0x34: {  	[smem:$0x3FB6] =	sst s10  }
0x35: {  	s10 =	sld [smem:$0x3FB5];
	_ =	sdelay $0x3  }
0x36: {  	p1 =	seq.s32 s10, $0x1;
	s10 =	sld [smem:$0x3FB6];
	_ =	sdelay $0x3  }
0x37: {  	[smem:$0x3FB6] =	sst s10  }
0x38: {  	s10 =	sld [smem:$0x3FB7]  }
0x39: {  	_ = 	snop;
	(pc) =	sbr.ind lr, $3  }
0x3a: {  	_ = 	snop  }
0x3b: {  	_ = 	snop  }
0x3c: {  	p2 =	seq.s32 s10, $0x1;
	s10 =	sld [smem:$0x3FB6]  }
0x3d: {  	_ =	shalt  }
0x3e: {  	_ =	shalt  }
0x3f: {  	_ =	shalt  }
0x40: {  	_ =	shalt  }
0x41: {  	_ =	shalt  }
0x42: {  	_ =	shalt  }
0x43: {  	_ =	shalt  }
0x44: {  	_ =	shalt  }
0x45: {  	_ =	shalt  }
0x46: {  	_ =	shalt  }
0x47: {  	_ =	shalt  }
0x48: {  	_ =	shalt  }
0x49: {  	_ =	shalt  }
0x4a: {  	_ =	shalt  }
0x4b: {  	_ =	shalt  }
0x4c: {  	_ =	shalt  }
0x4d: {  	_ =	shalt  }
0x4e: {  	_ =	shalt  }
0x4f: {  	_ =	shalt  }
0x50: {  	_ =	shalt  }
0x51: {  	_ =	shalt  }
0x52: {  	_ =	shalt  }
0x53: {  	_ =	shalt  }
0x54: {  	_ =	shalt  }
0x55: {  	_ =	shalt  }
0x56: {  	_ =	shalt  }
0x57: {  	_ =	shalt  }
0x58: {  	_ =	shalt  }
0x59: {  	_ =	shalt  }
0x5a: {  	_ =	shalt  }
0x5b: {  	_ =	shalt  }
0x5c: {  	_ =	shalt  }
0x5d: {  	_ =	shalt  }
0x5e: {  	_ =	shalt  }
0x5f: {  	_ =	shalt  }
0x60: {  	_ =	shalt  }
0x61: {  	_ =	shalt  }
0x62: {  	_ =	shalt  }
0x63: {  	_ =	shalt  }
0x64: {  	_ =	shalt  }
0x65: {  	_ =	shalt  }
0x66: {  	_ =	shalt  }
0x67: {  	_ =	shalt  }
0x68: {  	_ =	shalt  }
0x69: {  	_ =	shalt  }
0x6a: {  	_ =	shalt  }
0x6b: {  	_ =	shalt  }
0x6c: {  	_ =	shalt  }
0x6d: {  	_ =	shalt  }
0x6e: {  	_ =	shalt  }
0x6f: {  	_ =	shalt  }
0x70: {  	_ =	shalt  }
0x71: {  	_ =	shalt  }
0x72: {  	_ =	shalt  }
0x73: {  	_ =	shalt  }
0x74: {  	_ =	shalt  }
0x75: {  	_ =	shalt  }
0x76: {  	_ =	shalt  }
0x77: {  	_ =	shalt  }
0x78: {  	_ =	shalt  }
0x79: {  	_ =	shalt  }
0x7a: {  	_ =	shalt  }
0x7b: {  	_ =	shalt  }
0x7c: {  	_ =	shalt  }
0x7d: {  	_ =	shalt  }
0x7e: {  	_ =	shalt  }
0x7f: {  	_ =	shalt  }
0x80: {  	_ =	shalt  }
0x81: {  	_ =	shalt  }
0x82: {  	_ =	shalt  }
0x83: {  	_ =	shalt  }
0x84: {  	_ =	shalt  }
0x85: {  	_ =	shalt  }
0x86: {  	_ =	shalt  }
0x87: {  	_ =	shalt  }
.Lfunc_end0:
.L_simem_size_0:
called_computation_lowered:
.L_overlay_start_0:
0x88: {  	s2 =	sld [smem:$0x3FD9]  }
0x89: {  	s3 =	sld [smem:$0x3FFE];
	_ =	sdelay $0x1  }
0x8a: {  	s1 =	srdreg.scid  }
0x8b: {  	s0 =	sand.u32 $0x1, s1  }
0x8c: {  	s17 =	sshll.u32 s0, $0xA;
	s2 =	sadd.s32 s3, s2  }
0x8d: {  	s2 =	sadd.s32 s2, s17  }
0x8e: {  	[smem:$0x3FC2] =	sst s2  }
0x8f: {  	_ = 	snop  }
0x90: {  	s2 =	sld [smem:$0x3FD0];
	(tm) =	ssettm $0x1  }
0x91: {  	s18 =	sld [smem:$0x3FFB];
	_ =	sdelay $0x3  }
0x92: {  	_ =	strace s18  }
0x93: {  	s3 =	sld [smem:$0x3FFC];
	_ =	sdelay $0x3  }
0x94: {  	_ =	strace s3  }
0x95: {  	s3 =	sld [smem:$0x3FFD];
	_ =	sdelay $0x3  }
0x96: {  	_ =	strace s3  }
0x97: {  	_ =	strace $0x8FFFFFFF  }
0x98: {  	s19 =	sld [smem:$0x3FDB];
	_ =	sdelay $0x1  }
0x99: {  	s4 =	simm.s32 $_scs_section_size  }
0x9a: {  	s5 =	simm.s32 $_size__tile_overlayer_lowered;
	s6 =	simm.s32 $_tile_overlayer_lowered  }
0x9b: {  	s22 =	simm.s32 $0x1BFF;
	s21 =	sshll.u32 s6, $0x1;
	s3 =	sadd.s32 s4, s19  }
0x9c: {  	s7 =	simm.s32 $0x0;
	s20 =	sshll.u32 s5, $0x1;
	s5 =	sadd.s32 s21, s3  }
0x9d: {  	[timem:s7], [sflag:s22] =	dma.local [hbm:s5], s20  }
0x9e: {  	_ =	swait.ge [sflag:s22], s20  }
0x9f: {  	s4 =	ssub.s32 $0x0, s20;
	[sflag:s22] =	ssyncset.done $0x0  }
0xa0: {  	[sflag:s22] =	ssyncadd.s32 s4;
	_ =	sdelay $0x1  }
0xa1: {  	s23 =	simm.s32 $0x1B8B  }
0xa2: {  	_ =	swait.ge [sflag:s23], $0x1  }
0xa3: {  	[sflag:s23] =	ssyncset.done $0x0  }
0xa4: {  	s25 =	simm.s32 $0x1B8E;
	s24 =	sld [smem:$0x3FFE];
	[sflag:s23] =	ssyncadd.s32 $0xFFFFFFFF  }
0xa5: {  	s26 =	simm.s32 $execute0_lowered;
	[smem:$0x3FD2] =	sst s25  }
0xa6: {  	s5 =	sshll.u32 s26, $0x1;
	_ =	strace $0x80000046;
	[dreg:$0x1] =	wrdreg $0xFFFFFFFF  }
0xa7: {  	s28 =	simm.s32 $_size_execute0_lowered;
	s3 =	sadd.s32 s3, s5;
	[dreg:$0x0] =	wrdreg $0x0  }
0xa8: {  	s5 =	sshll.u32 s28, $0x1;
	[dreg:$0x2] =	wrdreg s3  }
0xa9: {  	[dreg:$0x3] =	wrdreg s5  }
0xaa: {  	[dreg:$0x4] =	wrdreg $0xC0  }
0xab: {  	_ =	task [dreg:s7], $0x5FFFF  }
0xac: {  	[dreg:$0x1] =	wrdreg $0xFFFFFFFF  }
0xad: {  	[dreg:$0x0] =	wrdreg $0x60  }
0xae: {  	[dreg:$0x2] =	wrdreg s2  }
0xaf: {  	[dreg:$0x3] =	wrdreg s24  }
0xb0: {  	[dreg:$0x4] =	wrdreg $0xB0000  }
0xb1: {  	[dreg:$0x5] =	wrdreg $0x9  }
0xb2: {  	_ =	task.clear_ibuf [dreg:s7], $0x6FFFF;
	_ =	strace $0x90000046  }
0xb3: {  	s29 =	simm.s32 $0x9;
	_ =	strace $0x80000048  }
0xb4: {  	_ =	swait.ge [sflag:s29], $0x1  }
0xb5: {  	[sflag:s29] =	ssyncadd.s32 $0xFFFFFFFF  }
0xb6: {  	_ =	strace $0x90000048  }
0xb7: {  	_ =	sfence  }
0xb8: {  	s30 =	sld [smem:$0x0];
	_ =	sdelay $0x2  }
0xb9: {  	s31 =	sshll.u32 s1, $0xD;
	s1 =	sshrl.u32 s1, $0x2  }
0xba: {  	s3 =	sand.u32 $0x4000, s31;
	s1 =	sadd.s32 s1, s30  }
0xbb: {  	s0 =	sor.u32 s3, s0;
	s1 =	sshll.u32 s1, $0x11  }
0xbc: {  	s0 =	sor.u32 s1, s0  }
0xbd: {  	s0 =	sadd.s32 $0x8F2B, s0  }
0xbe: {  	[sflag:s0] =	ssyncadd.remote.s32 $0x1  }
0xbf: {  	_ =	sfence.sel $0xFFFF  }
0xc0: {  	[dreg:$0x0] =	wrdreg $0xFFFFFFFF;
	(pc) =	sbr.abs _section_cstart, $3  }
0xc1: {  	[dreg:$0x1] =	wrdreg $0xFFFFFFFF  }
0xc2: {  	_ =	task.clear_ibuf [dreg:s7], $0x2FFFF;
	_ =	strace $0x9FFFFFFF  }
0xc3: {  	(tm) =	ssettm $0x7FFFFFFF  }
tec
execute0_lowered:
.L_overlay_start_1:
0x0: {  	(tag) =	ssettag $0x1  }
0x1: {  	s1 =	rddreg [dreg:$0x0]  }
0x2: {  	s0 =	rddreg [dreg:$0x1]  }
0x3: {  	s3 =	rddreg [dreg:$0x2];
	s4 =	simm.s32 $0x0;
	s2 =	stileid.u32  }
0x4: {  	s5 =	srdreg.scid;
	s17 =	simm.s32 $0x2800;
	s18 =	simm.s32 $0x3  }
0x5: {  	s19 =	simm.s32 $0x9000;
	s20 =	simm.s32 $0x80;
	s9 =	smul.u32 $0x2800, s2  }
0x6: {  	s21 =	simm.s32 $0x5000;
	s28 =	simm.s32 $0x0;
	s8 =	smul.u32 $0x28000, s2  }
0x7: {  	[smem:$0x7FF] =	sst s4;
	s6 =	sand.u32 $0x1, s5;
	s23 =	smul.u32 $0xA000, s2  }
0x8: {  	s10 =	sadd.s32 $0x6200, s0;
	_ =	strace $0x80000047;
	s12 =	smul.u32 $0x50000, s6  }
0x9: {  	s7 =	ssub.s32 $0x2, s6;
	s24 =	smul.u32 $0x140000, s6;
	s6 =	sshllo.u32 s6, $0x1  }
0xa: {  	s22 =	sshrl.u32 s9, $0x3;
	s11 =	sshrl.u32 s7, $0x1;
	s14 =	smul.u32 $0x28000, s6  }
0xb: {  	s8 =	sshrl.u32 s8, $0x2;
	s16 =	smul.u32 $0xA0000, s6;
	s5 =	sadd.s32 s22, s0  }
0xc: {  	s0 =	sadd.s32 $0x1A200, s0;
	s13 =	ssub.s32 s7, s11;
	s12 =	sadd.s32 s9, s12  }
0xd: {  	s15 =	sadd.s32 s23, s24;
	s6 =	sadd.s32 s8, s3;
	s22 =	simm.s32 $0x7000  }
0xe: {  	s24 =	simm.s32 $0x2;
	s5 =	sadd.s32 $0x1200, s5;
	s12 =	sshrl.u32 s12, $0x3  }
0xf: {  	s25 =	sshrl.u32 s15, $0x3;
	s26 =	sadd.s32 s9, s14;
	s29 =	sadd.s32 s23, s16  }
0x10: {  	s9 =	sadd.s32 s23, s3;
	s14 =	sadd.s32 $0x4000, s6;
	s15 =	sadd.s32 $0x6000, s6  }
0x11: {  	s16 =	sadd.s32 $0x8000, s6;
	s23 =	simm.s32 $0x1;
	s7 =	sadd.s32 s10, s12  }
0x12: {  	s8 =	sadd.s32 s0, s25;
	s30 =	sshrl.u32 s26, $0x3;
	s31 =	sshrl.u32 s29, $0x3  }
0x13: {  	s12 =	smax.u32 s13, $0x1;
	s13 =	sadd.s32 $0x2000, s6;
	s25 =	simm.s32 $0x4F00  }
0x14: {  	v0 =	vimm.f32 $0.0e+00;
	s26 =	simm.s32 $0x4F80;
	s10 =	sadd.s32 s10, s30;
	s11 =	sadd.s32 s0, s31  }
.LBB2_1:
0x15: {  	s0 =	sand.u32 $0x7F00, s4  }
0x16: {  	s30 =	sand.u32 $0x30, s4;
	s0 =	sshrl.u32 s0, $0x2  }
0x17: {  	s29 =	simm.s32 $0x40;
	s31 =	sor.u32 s30, s0;
	s30 =	simm.s32 $0x0  }
.LBB2_2:
0x18: {  	p0 =	sne.s32 s29, $0x7FC0  }
0x19: {  	[tilespmem:s31+$0x9000] =	vst v0;
	s30 =	sadd.s32 $0x10, s30;
	s0 =	smov.u32 s29;
	s29 =	sadd.s32 $0x40, s29  }
.Ltmp0:
0x1a: {  	(pc) =	sbr.rel @p0 .LBB2_2-.Ltmp0, $4  }
0x1b: {  	_ = 	snop  }
0x1c: {  	s0 =	sand.u32 $0x7F00, s0  }
0x1d: {  	s31 =	sand.u32 $0x30, s30;
	s0 =	sshrl.u32 s0, $0x2  }
0x1e: {  	s31 =	sor.u32 s31, s0  }
0x1f: {  	[tilespmem:s31+$0x9000] =	vst v0;
	s0 =	simm.s32 $0x0  }
0x20: {  	[tilespmem:s17], [sflag:$0x3] =	stream.linear.gather [hbm4b:s5+s0], $0x2800, $0x38;
	[tilespmem:$0x15000] =	vst v63  }
0x21: {  	_ =	swait.ge [sflag:s18], $0x2800  }
0x22: {  	[sflag:s18] =	ssyncset.done $0x0  }
0x23: {  	[sflag:s18] =	ssyncadd.s32 $0xFFFFD800  }
0x24: {  	[spmem:s6] =	stream.linear.scatter [tilespmem:s19], [sflag:$0x3], $0x2000, $0x38;
	[tilespmem:$0x15000] =	vst v63  }
0x25: {  	_ =	swait.ge [sflag:s18], $0x2000  }
0x26: {  	[sflag:s18] =	ssyncset.done $0x0  }
0x27: {  	[sflag:s18] =	ssyncadd.s32 $0xFFFFE000  }
0x28: {  	[spmem:s13] =	stream.linear.scatter [tilespmem:s19], [sflag:$0x3], $0x2000, $0x38;
	[tilespmem:$0x15000] =	vst v63  }
0x29: {  	_ =	swait.ge [sflag:s18], $0x2000  }
0x2a: {  	[sflag:s18] =	ssyncset.done $0x0  }
0x2b: {  	[sflag:s18] =	ssyncadd.s32 $0xFFFFE000  }
0x2c: {  	[spmem:s14] =	stream.linear.scatter [tilespmem:s19], [sflag:$0x3], $0x2000, $0x38;
	[tilespmem:$0x15000] =	vst v63  }
0x2d: {  	_ =	swait.ge [sflag:s18], $0x2000  }
0x2e: {  	[sflag:s18] =	ssyncset.done $0x0  }
0x2f: {  	[sflag:s18] =	ssyncadd.s32 $0xFFFFE000  }
0x30: {  	[spmem:s15] =	stream.linear.scatter [tilespmem:s19], [sflag:$0x3], $0x2000, $0x38;
	[tilespmem:$0x15000] =	vst v63  }
0x31: {  	_ =	swait.ge [sflag:s18], $0x2000  }
0x32: {  	[sflag:s18] =	ssyncset.done $0x0  }
0x33: {  	[sflag:s18] =	ssyncadd.s32 $0xFFFFE000  }
0x34: {  	[spmem:s16] =	stream.linear.scatter [tilespmem:s19], [sflag:$0x3], $0x2000, $0x38;
	[tilespmem:$0x15000] =	vst v63  }
0x35: {  	_ =	swait.ge [sflag:s18], $0x2000  }
0x36: {  	[sflag:s18] =	ssyncset.done $0x0  }
0x37: {  	[sflag:s18] =	ssyncadd.s32 $0xFFFFE000  }
0x38: {  	[tilespmem:s0], [sflag:$0x3] =	stream.linear.gather [hbm4b:s7+s0], $0x2800, $0x38;
	[tilespmem:$0x15000] =	vst v63  }
0x39: {  	_ =	swait.ge [sflag:s18], $0x2800  }
0x3a: {  	[sflag:s18] =	ssyncset.done $0x0  }
0x3b: {  	[sflag:s18] =	ssyncadd.s32 $0xFFFFD800  }
0x3c: {  	[bflag:$0x0] =	sbarrier.arrive $0xFFFF  }
0x3d: {  	[tilespmem:s21], [sflag:$0x1] =	stream.indirect.gather [hbm4b:s1+s20], $0x40, s0, s20, $0xb8;
	[tilespmem:$0x15000] =	vst v63  }
0x3e: {  	_ = 	snop  }
0x3f: {  	[tilespmem:s22], [sflag:$0x2] =	stream.indirect.gather [hbm4b:s1+s20], $0x40, s20, s20, $0xb8;
	[tilespmem:$0x15000] =	vst v63  }
0x40: {  	_ =	swait.ge [sflag:s23], $0x2000  }
0x41: {  	[sflag:s23] =	ssyncset.done $0x0  }
0x42: {  	s31 =	simm.s32 $0x2800;
	[sflag:s23] =	ssyncadd.s32 $0xFFFFE000  }
0x43: {  	[spmem:s3] =	stream.indirect.scatter.add.f32 [tilespmem:s21], [sflag:$0x3], $0x40, s31, s20, $0xb8;
	[tilespmem:$0x15000] =	vst v63  }
0x44: {  	_ =	swait.ge [sflag:s18], $0x2000  }
0x45: {  	[sflag:s18] =	ssyncset.done $0x0  }
0x46: {  	s2 =	simm.s32 $0x100;
	[sflag:s18] =	ssyncadd.s32 $0xFFFFE000  }
0x47: {  	[tilespmem:s21], [sflag:$0x1] =	stream.indirect.gather [hbm4b:s1+s20], $0x40, s2, s20, $0xb8;
	[tilespmem:$0x15000] =	vst v63  }
0x48: {  	_ =	swait.ge [sflag:s24], $0x2000  }
0x49: {  	[sflag:s24] =	ssyncset.done $0x0  }
0x4a: {  	s31 =	simm.s32 $0x2880;
	[sflag:s24] =	ssyncadd.s32 $0xFFFFE000  }
0x4b: {  	[spmem:s3] =	stream.indirect.scatter.add.f32 [tilespmem:s22], [sflag:$0x3], $0x40, s31, s20, $0xb8;
	[tilespmem:$0x15000] =	vst v63  }
0x4c: {  	_ =	swait.ge [sflag:s18], $0x2000  }
0x4d: {  	[sflag:s18] =	ssyncset.done $0x0  }
0x4e: {  	s29 =	simm.s32 $0x400;
	s30 =	simm.s32 $0x180;
	[sflag:s18] =	ssyncadd.s32 $0xFFFFE000  }
.LBB2_4:
0x4f: {  	[tilespmem:s22], [sflag:$0x2] =	stream.indirect.gather [hbm4b:s1+s20], $0x40, s30, s20, $0xb8;
	[tilespmem:$0x15000] =	vst v63  }
0x50: {  	s0 =	smov.u32 s29  }
0x51: {  	p0 =	sne.s32 s29, $0x9800;
	s29 =	sadd.s32 $0x400, s29;
	_ =	swait.ge [sflag:s23], $0x2000  }
0x52: {  	s0 =	sshra.s32 s0, $0x2;
	[sflag:s23] =	ssyncset.done $0x0  }
0x53: {  	s30 =	sadd.s32 $0x2800, s0;
	[sflag:s23] =	ssyncadd.s32 $0xFFFFE000  }
0x54: {  	[spmem:s3] =	stream.indirect.scatter.add.f32 [tilespmem:s21], [sflag:$0x3], $0x40, s30, s20, $0xb8;
	[tilespmem:$0x15000] =	vst v63  }
0x55: {  	_ =	swait.ge [sflag:s18], $0x2000  }
0x56: {  	[sflag:s18] =	ssyncset.done $0x0  }
0x57: {  	s30 =	sadd.s32 $0x100, s0;
	[sflag:s18] =	ssyncadd.s32 $0xFFFFE000  }
0x58: {  	[tilespmem:s21], [sflag:$0x1] =	stream.indirect.gather [hbm4b:s1+s20], $0x40, s30, s20, $0xb8;
	[tilespmem:$0x15000] =	vst v63  }
0x59: {  	_ =	swait.ge [sflag:s24], $0x2000  }
0x5a: {  	[sflag:s24] =	ssyncset.done $0x0  }
.Ltmp1:
0x5b: {  	s30 =	sadd.s32 $0x2880, s0;
	[sflag:s24] =	ssyncadd.s32 $0xFFFFE000;
	(pc) =	sbr.rel @p0 .LBB2_4-.Ltmp1, $4  }
0x5c: {  	[spmem:s3] =	stream.indirect.scatter.add.f32 [tilespmem:s22], [sflag:$0x3], $0x40, s30, s20, $0xb8;
	[tilespmem:$0x15000] =	vst v63  }
0x5d: {  	_ =	swait.ge [sflag:s18], $0x2000  }
0x5e: {  	[sflag:s18] =	ssyncset.done $0x0  }
0x5f: {  	s30 =	sadd.s32 $0x180, s0;
	[sflag:s18] =	ssyncadd.s32 $0xFFFFE000  }
0x60: {  	[tilespmem:s22], [sflag:$0x2] =	stream.indirect.gather [hbm4b:s1+s20], $0x40, s30, s20, $0xb8;
	[tilespmem:$0x15000] =	vst v63  }
0x61: {  	_ =	swait.ge [sflag:s23], $0x2000  }
0x62: {  	[sflag:s23] =	ssyncset.done $0x0  }
0x63: {  	[sflag:s23] =	ssyncadd.s32 $0xFFFFE000  }
0x64: {  	[spmem:s3] =	stream.indirect.scatter.add.f32 [tilespmem:s21], [sflag:$0x3], $0x40, s25, s20, $0xb8;
	[tilespmem:$0x15000] =	vst v63  }
0x65: {  	_ =	swait.ge [sflag:s18], $0x2000  }
0x66: {  	[sflag:s18] =	ssyncset.done $0x0  }
0x67: {  	[sflag:s18] =	ssyncadd.s32 $0xFFFFE000  }
0x68: {  	_ =	swait.ge [sflag:s24], $0x2000  }
0x69: {  	[sflag:s24] =	ssyncset.done $0x0  }
0x6a: {  	[sflag:s24] =	ssyncadd.s32 $0xFFFFE000  }
0x6b: {  	[spmem:s3] =	stream.indirect.scatter.add.f32 [tilespmem:s22], [sflag:$0x3], $0x40, s26, s20, $0xb8;
	[tilespmem:$0x15000] =	vst v63  }
0x6c: {  	_ =	swait.ge [sflag:s18], $0x2000  }
0x6d: {  	s0 =	stileid.u32;
	[sflag:s18] =	ssyncset.done $0x0  }
0x6e: {  	s0 =	sshll.u32 s0, $0x6;
	[sflag:s18] =	ssyncadd.s32 $0xFFFFE000  }
0x6f: {  	s30 =	sshrl.u32 s9, $0x3;
	s29 =	sor.u32 $0x1C03, s0;
	[bflag:$0x0] =	sbarrier.arrive $0xFFFF  }
0x70: {  	[hbm:s8], [sflag:s29] =	dma.local [spmem:s30], $0x1400  }
0x71: {  	_ =	swait.ge [sflag:s18], $0x1400  }
0x72: {  	[sflag:s18] =	ssyncset.done $0x0  }
0x73: {  	[sflag:s18] =	ssyncadd.s32 $0xFFFFEC00  }
0x74: {  	[bflag:$0x0] =	sbarrier.arrive $0xFFFF  }
0x75: {  	[spmem:s6] =	stream.linear.scatter [tilespmem:s19], [sflag:$0x3], $0x2000, $0x38;
	[tilespmem:$0x15000] =	vst v63  }
0x76: {  	_ =	swait.ge [sflag:s18], $0x2000  }
0x77: {  	[sflag:s18] =	ssyncset.done $0x0  }
0x78: {  	[sflag:s18] =	ssyncadd.s32 $0xFFFFE000  }
0x79: {  	[spmem:s13] =	stream.linear.scatter [tilespmem:s19], [sflag:$0x3], $0x2000, $0x38;
	[tilespmem:$0x15000] =	vst v63  }
0x7a: {  	_ =	swait.ge [sflag:s18], $0x2000  }
0x7b: {  	[sflag:s18] =	ssyncset.done $0x0  }
0x7c: {  	[sflag:s18] =	ssyncadd.s32 $0xFFFFE000  }
0x7d: {  	[spmem:s14] =	stream.linear.scatter [tilespmem:s19], [sflag:$0x3], $0x2000, $0x38;
	[tilespmem:$0x15000] =	vst v63  }
0x7e: {  	_ =	swait.ge [sflag:s18], $0x2000  }
0x7f: {  	[sflag:s18] =	ssyncset.done $0x0  }
0x80: {  	[sflag:s18] =	ssyncadd.s32 $0xFFFFE000  }
0x81: {  	[spmem:s15] =	stream.linear.scatter [tilespmem:s19], [sflag:$0x3], $0x2000, $0x38;
	[tilespmem:$0x15000] =	vst v63  }
0x82: {  	_ =	swait.ge [sflag:s18], $0x2000  }
0x83: {  	[sflag:s18] =	ssyncset.done $0x0  }
0x84: {  	[sflag:s18] =	ssyncadd.s32 $0xFFFFE000  }
0x85: {  	[spmem:s16] =	stream.linear.scatter [tilespmem:s19], [sflag:$0x3], $0x2000, $0x38;
	[tilespmem:$0x15000] =	vst v63  }
0x86: {  	_ =	swait.ge [sflag:s18], $0x2000  }
0x87: {  	[sflag:s18] =	ssyncset.done $0x0  }
0x88: {  	s2 =	simm.s32 $0x0;
	[sflag:s18] =	ssyncadd.s32 $0xFFFFE000  }
0x89: {  	[tilespmem:s2], [sflag:$0x3] =	stream.linear.gather [hbm4b:s10+s2], $0x2800, $0x38;
	[tilespmem:$0x15000] =	vst v63  }
0x8a: {  	_ =	swait.ge [sflag:s18], $0x2800  }
0x8b: {  	[sflag:s18] =	ssyncset.done $0x0  }
0x8c: {  	[sflag:s18] =	ssyncadd.s32 $0xFFFFD800  }
0x8d: {  	[bflag:$0x0] =	sbarrier.arrive $0xFFFF  }
0x8e: {  	[tilespmem:s21], [sflag:$0x1] =	stream.indirect.gather [hbm4b:s1+s20], $0x40, s2, s20, $0xb8;
	[tilespmem:$0x15000] =	vst v63  }
0x8f: {  	_ = 	snop  }
0x90: {  	[tilespmem:s22], [sflag:$0x2] =	stream.indirect.gather [hbm4b:s1+s20], $0x40, s20, s20, $0xb8;
	[tilespmem:$0x15000] =	vst v63  }
0x91: {  	_ =	swait.ge [sflag:s23], $0x2000  }
0x92: {  	[sflag:s23] =	ssyncset.done $0x0  }
0x93: {  	s2 =	simm.s32 $0x2800;
	[sflag:s23] =	ssyncadd.s32 $0xFFFFE000  }
0x94: {  	[spmem:s3] =	stream.indirect.scatter.add.f32 [tilespmem:s21], [sflag:$0x3], $0x40, s2, s20, $0xb8;
	[tilespmem:$0x15000] =	vst v63  }
0x95: {  	_ =	swait.ge [sflag:s18], $0x2000  }
0x96: {  	[sflag:s18] =	ssyncset.done $0x0  }
0x97: {  	s2 =	simm.s32 $0x100;
	[sflag:s18] =	ssyncadd.s32 $0xFFFFE000  }
0x98: {  	[tilespmem:s21], [sflag:$0x1] =	stream.indirect.gather [hbm4b:s1+s20], $0x40, s2, s20, $0xb8;
	[tilespmem:$0x15000] =	vst v63  }
0x99: {  	_ =	swait.ge [sflag:s24], $0x2000  }
0x9a: {  	[sflag:s24] =	ssyncset.done $0x0  }
0x9b: {  	s2 =	simm.s32 $0x2880;
	[sflag:s24] =	ssyncadd.s32 $0xFFFFE000  }
0x9c: {  	[spmem:s3] =	stream.indirect.scatter.add.f32 [tilespmem:s22], [sflag:$0x3], $0x40, s2, s20, $0xb8;
	[tilespmem:$0x15000] =	vst v63  }
0x9d: {  	_ =	swait.ge [sflag:s18], $0x2000  }
0x9e: {  	[sflag:s18] =	ssyncset.done $0x0  }
0x9f: {  	s31 =	simm.s32 $0x400;
	s0 =	simm.s32 $0x180;
	[sflag:s18] =	ssyncadd.s32 $0xFFFFE000  }
.LBB2_6:
0xa0: {  	[tilespmem:s22], [sflag:$0x2] =	stream.indirect.gather [hbm4b:s1+s20], $0x40, s0, s20, $0xb8;
	[tilespmem:$0x15000] =	vst v63  }
0xa1: {  	s0 =	smov.u32 s31  }
0xa2: {  	p0 =	sne.s32 s31, $0x9800;
	s31 =	sadd.s32 $0x400, s31;
	_ =	swait.ge [sflag:s23], $0x2000  }
0xa3: {  	s0 =	sshra.s32 s0, $0x2;
	[sflag:s23] =	ssyncset.done $0x0  }
0xa4: {  	s2 =	sadd.s32 $0x2800, s0;
	[sflag:s23] =	ssyncadd.s32 $0xFFFFE000  }
0xa5: {  	[spmem:s3] =	stream.indirect.scatter.add.f32 [tilespmem:s21], [sflag:$0x3], $0x40, s2, s20, $0xb8;
	[tilespmem:$0x15000] =	vst v63  }
0xa6: {  	_ =	swait.ge [sflag:s18], $0x2000  }
0xa7: {  	[sflag:s18] =	ssyncset.done $0x0  }
0xa8: {  	s2 =	sadd.s32 $0x100, s0;
	[sflag:s18] =	ssyncadd.s32 $0xFFFFE000  }
0xa9: {  	[tilespmem:s21], [sflag:$0x1] =	stream.indirect.gather [hbm4b:s1+s20], $0x40, s2, s20, $0xb8;
	[tilespmem:$0x15000] =	vst v63  }
0xaa: {  	_ =	swait.ge [sflag:s24], $0x2000  }
0xab: {  	[sflag:s24] =	ssyncset.done $0x0  }
.Ltmp2:
0xac: {  	s2 =	sadd.s32 $0x2880, s0;
	[sflag:s24] =	ssyncadd.s32 $0xFFFFE000;
	(pc) =	sbr.rel @p0 .LBB2_6-.Ltmp2, $4  }
0xad: {  	[spmem:s3] =	stream.indirect.scatter.add.f32 [tilespmem:s22], [sflag:$0x3], $0x40, s2, s20, $0xb8;
	[tilespmem:$0x15000] =	vst v63  }
0xae: {  	_ =	swait.ge [sflag:s18], $0x2000  }
0xaf: {  	[sflag:s18] =	ssyncset.done $0x0  }
0xb0: {  	s0 =	sadd.s32 $0x180, s0;
	[sflag:s18] =	ssyncadd.s32 $0xFFFFE000  }
0xb1: {  	[tilespmem:s22], [sflag:$0x2] =	stream.indirect.gather [hbm4b:s1+s20], $0x40, s0, s20, $0xb8;
	[tilespmem:$0x15000] =	vst v63  }
0xb2: {  	_ =	swait.ge [sflag:s23], $0x2000  }
0xb3: {  	[sflag:s23] =	ssyncset.done $0x0  }
0xb4: {  	[sflag:s23] =	ssyncadd.s32 $0xFFFFE000  }
0xb5: {  	[spmem:s3] =	stream.indirect.scatter.add.f32 [tilespmem:s21], [sflag:$0x3], $0x40, s25, s20, $0xb8;
	[tilespmem:$0x15000] =	vst v63  }
0xb6: {  	_ =	swait.ge [sflag:s18], $0x2000  }
0xb7: {  	[sflag:s18] =	ssyncset.done $0x0  }
0xb8: {  	[sflag:s18] =	ssyncadd.s32 $0xFFFFE000  }
0xb9: {  	_ =	swait.ge [sflag:s24], $0x2000  }
0xba: {  	[sflag:s24] =	ssyncset.done $0x0  }
0xbb: {  	[sflag:s24] =	ssyncadd.s32 $0xFFFFE000  }
0xbc: {  	[spmem:s3] =	stream.indirect.scatter.add.f32 [tilespmem:s22], [sflag:$0x3], $0x40, s26, s20, $0xb8;
	[tilespmem:$0x15000] =	vst v63  }
0xbd: {  	_ =	swait.ge [sflag:s18], $0x2000  }
0xbe: {  	[sflag:s18] =	ssyncset.done $0x0  }
0xbf: {  	s28 =	sadd.s32 $0x1, s28;
	[sflag:s18] =	ssyncadd.s32 $0xFFFFE000  }
0xc0: {  	p0 =	sne.s32 s28, s12;
	[bflag:$0x0] =	sbarrier.arrive $0xFFFF  }
0xc1: {  	[hbm:s11], [sflag:s29] =	dma.local [spmem:s30], $0x1400  }
.Ltmp3:
0xc2: {  	_ =	swait.ge [sflag:s18], $0x1400;
	(pc) =	sbr.rel @p0 .LBB2_1-.Ltmp3, $3  }
0xc3: {  	[sflag:s18] =	ssyncset.done $0x0  }
0xc4: {  	[sflag:s18] =	ssyncadd.s32 $0xFFFFEC00  }
0xc5: {  	[bflag:$0x0] =	sbarrier.arrive $0xFFFF;
	_ =	sdelay $0x1  }
0xc6: {  	_ =	sfence.sel $0x180000  }
0xc7: {  	[bflag:$0x0] =	sbarrier.arrive $0xFFFF  }
0xc8: {  	_ =	strace $0x90000047  }
0xc9: {  	s0 =	stileid.u32;
	[bflag:$0x2] =	sbarrier.arrive $0xFFFF  }
0xca: {  	p0 =	sne.s32 s0, $0x0;
	s0 =	rddreg [dreg:$0x3]  }
0xcb: {  	s0 =	sadd.s32 @!p0 $0x100000, s0  }
0xcc: {  	[sflag:s0] =	ssyncadd.tile.s32 @!p0 $0x1;
	_ =	shalt  }
.Lfunc_end2:
_tile_overlayer_lowered:
.L_overlay_start_2:
0xcd: {  	(tag) =	ssettag $0x2  }
0xce: {  	s0 =	rddreg [dreg:$0x0];
	s2 =	stileid.u32  }
0xcf: {  	s1 =	rddreg [dreg:$0x1];
	p0 =	sne.s32 s2, $0x0  }
0xd0: {  	s3 =	rddreg [dreg:$0x2];
	[bflag:$0x3] =	sbarrier.arrive $0xFFFF;
	s2 =	simm.s32 @!p0 $0x1C03  }
0xd1: {  	[timem:s3], [sflag:s2] =	dma.local @!p0 [hbm:s0], s1  }
0xd2: {  	s0 =	simm.s32 @!p0 $0x3  }
0xd3: {  	_ =	swait.ge @!p0 [sflag:s0], s1  }
0xd4: {  	s1 =	ssub.s32 @!p0 $0x0, s1;
	[sflag:s0] =	ssyncset.done @!p0 $0x0  }
0xd5: {  	[sflag:s0] =	ssyncadd.s32 @!p0 s1  }
0xd6: {  	[bflag:$0x3] =	sbarrier.arrive $0xFFFF  }
0xd7: {  	_ =	shalt  }

</sc_bundles>
